<compile_context>
chip_gen: v7x
topology: tpu7x:2x2x1
jax: 0.10.2.dev20260603
libtpu: 0.0.44.dev20260713+nightly
codegen_flags: <defaults>
</compile_context>

<pallas_src>
import dataclasses
import functools

import jax
import jax.numpy as jnp
from jax import lax
from jax.experimental import pallas as pl
from jax.experimental.pallas import tpu as pltpu
from jax.experimental.pallas import tpu_sc as plsc

NCORE = 2
NSUB = 16
NW = NCORE * NSUB
BLK = 128
CH = 40


def _sc_compiler_params():
    cp = pltpu.CompilerParams()
    if "needs_layout_passes" in pltpu.CompilerParams.__dataclass_fields__:
        cp = dataclasses.replace(cp, needs_layout_passes=False)
    return cp


def _pad_counts(n_nodes, n_edges):
    align = NSUB * BLK
    np_ = ((n_nodes + align) // align) * align
    if np_ - n_nodes < BLK:
        np_ += align
    nb = -(-n_edges // (NW * BLK))
    nb = -(-nb // (2 * CH)) * 2 * CH
    return np_, nb


@functools.cache
def _deg_kernel(np_, nb):
    mesh = plsc.VectorSubcoreMesh(core_axis_name="c", subcore_axis_name="s")

    @functools.partial(
        pl.kernel,
        out_type=jax.ShapeDtypeStruct((2, NW, np_), jnp.float32),
        mesh=mesh,
        compiler_params=_sc_compiler_params(),
        scratch_types=[
            pltpu.VMEM((nb, BLK), jnp.int32),
            pltpu.VMEM((nb, BLK), jnp.int32),
            pltpu.VMEM((np_,), jnp.float32),
            pltpu.VMEM((np_,), jnp.float32),
        ],
    )
    def deg(src_hbm, dst_hbm, out_hbm, sidx, didx, hsrc, hdst):
        c = lax.axis_index("c")
        s = lax.axis_index("s")
        w = c * NSUB + s
        pltpu.sync_copy(src_hbm.at[w], sidx)
        pltpu.sync_copy(dst_hbm.at[w], didx)
        zeros = jnp.zeros((16,), jnp.float32)

        @pl.loop(0, np_ // 16)
        def _(i):
            hsrc[pl.ds(i * 16, 16)] = zeros
            hdst[pl.ds(i * 16, 16)] = zeros

        ones = jnp.full((16,), 1.0, jnp.float32)

        @pl.loop(0, nb)
        def _(j):
            for l in range(BLK // 16):
                sv = sidx[j, pl.ds(l * 16, 16)]
                dv = didx[j, pl.ds(l * 16, 16)]
                plsc.addupdate_scatter(hsrc, [sv], ones)
                plsc.addupdate_scatter(hdst, [dv], ones)

        pltpu.sync_copy(hsrc, out_hbm.at[0, w])
        pltpu.sync_copy(hdst, out_hbm.at[1, w])

    return deg


@functools.cache
def _agg_kernel(np_, nb, d, n):
    mesh = plsc.VectorSubcoreMesh(core_axis_name="c", subcore_axis_name="s")
    rows_per_tile = np_ // NSUB

    @functools.partial(
        pl.kernel,
        out_type=jax.ShapeDtypeStruct((NCORE, np_, d), jnp.float32),
        mesh=mesh,
        compiler_params=_sc_compiler_params(),
        scratch_types=[
            pltpu.VMEM((nb, BLK), jnp.int32),
            pltpu.VMEM((CH, BLK), jnp.int32),
            pltpu.VMEM((BLK, d), jnp.float32),
            pltpu.VMEM((BLK, d), jnp.float32),
            pltpu.VMEM((1, BLK), jnp.int32),
            pltpu.VMEM_SHARED((np_, d), jnp.float32),
            pltpu.SemaphoreType.DMA,
            pltpu.SemaphoreType.DMA,
            pltpu.SemaphoreType.DMA,
        ],
    )
    def agg(m_hbm, src_hbm, dst_hbm, out_hbm, sidx, didx, g0, g1, piota,
            acc, s0, s1, ws):
        c = lax.axis_index("c")
        s = lax.axis_index("s")
        w = c * NSUB + s
        pltpu.sync_copy(src_hbm.at[w], sidx)
        base = s * rows_per_tile

        def gstart(j, buf, sem):
            pltpu.async_copy(m_hbm.at[sidx.at[j]], buf, sem)

        def gwait(j, buf, sem):
            pltpu.make_async_copy(m_hbm.at[sidx.at[j]], buf, sem).wait()

        def scat(r, buf):
            pltpu.sync_copy(buf, acc.at[didx.at[r]], add=True)

        gstart(0, g0, s0)
        pltpu.sync_copy(dst_hbm.at[w, pl.ds(0, CH)], didx)

        start = n + s * ((np_ - n - BLK) // NSUB)
        for l in range(BLK // 16):
            piota[0, pl.ds(l * 16, 16)] = (
                start + l * 16 + lax.iota(jnp.int32, 16))
        pltpu.sync_copy(m_hbm.at[piota.at[0]], g1)

        @pl.loop(0, rows_per_tile // BLK)
        def _(k):
            pltpu.sync_copy(g1, acc.at[pl.ds(base + k * BLK, BLK)])

        plsc.subcore_barrier()

        gstart(1, g1, s1)

        @pl.loop(0, nb - 2, step=2)
        def _(j):
            r = lax.rem(j, CH)

            @pl.when(jnp.logical_and(r == 0, j > 0))
            def _():
                pltpu.sync_copy(
                    dst_hbm.at[w, pl.ds(pl.multiple_of(j, CH), CH)], didx)

            gwait(j, g0, s0)
            scat(r, g0)
            gstart(j + 2, g0, s0)
            gwait(j + 1, g1, s1)
            scat(r + 1, g1)

            @pl.when(j + 3 < nb)
            def _():
                gstart(j + 3, g1, s1)

        gwait(nb - 2, g0, s0)
        scat(lax.rem(nb - 2, CH), g0)
        gwait(nb - 1, g1, s1)
        scat(lax.rem(nb - 1, CH), g1)

        plsc.subcore_barrier()

        @pl.loop(0, rows_per_tile // BLK)
        def _(k):
            r = base + k * BLK
            pltpu.async_copy(acc.at[pl.ds(r, BLK)],
                             out_hbm.at[c, pl.ds(r, BLK)], ws)

        @pl.loop(0, rows_per_tile // BLK)
        def _(k):
            r = base + k * BLK
            pltpu.make_async_copy(acc.at[pl.ds(r, BLK)],
                                  out_hbm.at[c, pl.ds(r, BLK)], ws).wait()

    return agg


def _norms_m1(xp, degp, w1):
    np_ = xp.shape[0]
    d_hid = w1.shape[1]

    def body(x_ref, dp_ref, w_ref, m_ref, ns_ref, nd_ref):
        dp = dp_ref[...]
        ones = jnp.ones((NW, 1), jnp.float32)
        cn = (((0,), (0,)), ((), ()))
        degs = lax.dot_general(dp[0], ones, cn,
                               preferred_element_type=jnp.float32)
        degd = lax.dot_general(dp[1], ones, cn,
                               preferred_element_type=jnp.float32)
        ns = jnp.where(degs > 0, lax.rsqrt(jnp.maximum(degs, 1.0)), 0.0)
        nd = jnp.where(degd > 0, lax.rsqrt(jnp.maximum(degd, 1.0)), 0.0)
        ns_ref[...] = ns
        nd_ref[...] = nd
        m_ref[...] = jnp.dot(x_ref[...] * ns, w_ref[...],
                             preferred_element_type=jnp.float32)

    return pl.pallas_call(
        body,
        out_shape=(
            jax.ShapeDtypeStruct((np_, d_hid), jnp.float32),
            jax.ShapeDtypeStruct((np_, 1), jnp.float32),
            jax.ShapeDtypeStruct((np_, 1), jnp.float32),
        ),
    )(xp, degp, w1)


def _mid_layer(p, ns, nd, b1, w2):
    np_ = p.shape[1]
    d_out = w2.shape[1]

    def body(p_ref, ns_ref, nd_ref, b_ref, w_ref, m_ref):
        agg = p_ref[0] + p_ref[1]
        h = jnp.maximum(agg * nd_ref[...] + b_ref[...], 0.0)
        m_ref[...] = jnp.dot(h * ns_ref[...], w_ref[...],
                             preferred_element_type=jnp.float32)

    return pl.pallas_call(
        body,
        out_shape=jax.ShapeDtypeStruct((np_, d_out), jnp.float32),
    )(p, ns, nd, b1, w2)


def _head(p, nd, b2, wm1, bm1, wm2, bm2, n):
    d_out = wm2.shape[1]

    def body(p_ref, nd_ref, b_ref, w1_ref, b1_ref, w2_ref, b2_ref, o_ref):
        agg = p_ref[0, :n] + p_ref[1, :n]
        h = jnp.maximum(agg * nd_ref[:n] + b_ref[...], 0.0)
        z = jnp.dot(h, w1_ref[...], preferred_element_type=jnp.float32)
        z = 1.0 / (1.0 + jnp.exp(-(z + b1_ref[...])))
        o_ref[...] = (jnp.dot(z, w2_ref[...],
                              preferred_element_type=jnp.float32) + b2_ref[...])

    return pl.pallas_call(
        body,
        out_shape=jax.ShapeDtypeStruct((n, d_out), jnp.float32),
    )(p, nd, b2, wm1, bm1, wm2, bm2)


def kernel(x, edge_index, W1, b1, W2, b2, Wm1, bm1, Wm2, bm2):
    n, d_in = x.shape
    e = edge_index.shape[1]
    np_, nb = _pad_counts(n, e)
    ep = NW * nb * BLK

    pad_idx = n + (jnp.arange(ep - e, dtype=jnp.int32) % (np_ - n))
    srcp = jnp.concatenate([edge_index[0], pad_idx]).reshape(NW, nb, BLK)
    dstp = jnp.concatenate([edge_index[1], pad_idx]).reshape(NW, nb, BLK)
    xp = jnp.pad(x, ((0, np_ - n), (0, 0)))
    degp = _deg_kernel(np_, nb)(srcp, dstp)
    m1, ns, nd = _norms_m1(xp, degp, W1)
    p1 = _agg_kernel(np_, nb, W1.shape[1], n)(m1, srcp, dstp)
    m2 = _mid_layer(p1, ns, nd, b1.reshape(1, -1), W2)
    p2 = _agg_kernel(np_, nb, W2.shape[1], n)(m2, srcp, dstp)
    return _head(p2, nd, b2.reshape(1, -1), Wm1, bm1.reshape(1, -1),
                 Wm2, bm2.reshape(1, -1), n)

# --- scband reference (transcript-rebuilt; emitter-appended) ---
"""Pipeline reference for scband-gcn-44624710205523 (READ-ONLY COPY).

The authoritative reference and input builder live on the scoring server;
editing this copy changes nothing except your own understanding.
"""

import jax, jax.numpy as jnp
import numpy as np

N = 10000
E = 320000
D_IN = 128
D_HID = 128
D_OUT = 128
MLP_HID = 128
MLP_OUT = 64


def setup_inputs(seed: int = 0) -> dict:
    key = jax.random.key(seed)
    ks = jax.random.split(key, 12)
    x = jax.random.normal(ks[0], (N, D_IN), dtype=jnp.float32)
    edge_index = jax.random.randint(ks[1], (2, E), 0, N, dtype=jnp.int32)
    # GraphConv weights (DGL GraphConv: weight [in, out], bias [out])
    W1 = jax.random.normal(ks[2], (D_IN, D_HID), dtype=jnp.float32) / np.sqrt(D_IN)
    b1 = jnp.zeros((D_HID,), dtype=jnp.float32)
    W2 = jax.random.normal(ks[3], (D_HID, D_OUT), dtype=jnp.float32) / np.sqrt(D_HID)
    b2 = jnp.zeros((D_OUT,), dtype=jnp.float32)
    # MLP: num_layers=2 -> linear(input_dim, hidden_dim), act, linear(hidden_dim, output_dim)
    Wm1 = jax.random.normal(ks[4], (D_OUT, MLP_HID), dtype=jnp.float32) / np.sqrt(D_OUT)
    bm1 = jnp.zeros((MLP_HID,), dtype=jnp.float32)
    Wm2 = jax.random.normal(ks[5], (MLP_HID, MLP_OUT), dtype=jnp.float32) / np.sqrt(MLP_HID)
    bm2 = jnp.zeros((MLP_OUT,), dtype=jnp.float32)
    return {"x": x, "edge_index": edge_index, "W1": W1, "b1": b1, "W2": W2, "b2": b2,
            "Wm1": Wm1, "bm1": bm1, "Wm2": Wm2, "bm2": bm2}


def _graph_conv_both(h, src, dst, n_nodes, W, b):
    # DGL GraphConv with norm='both':
    #   h' = D_dst^{-1/2} A (D_src^{-1/2} h W) + b
    h = h @ W
    out_deg = jnp.zeros((n_nodes,), jnp.float32).at[src].add(1.0)
    in_deg = jnp.zeros((n_nodes,), jnp.float32).at[dst].add(1.0)
    norm_src = jnp.where(out_deg > 0, 1.0 / jnp.sqrt(jnp.maximum(out_deg, 1.0)), 0.0)
    norm_dst = jnp.where(in_deg > 0, 1.0 / jnp.sqrt(jnp.maximum(in_deg, 1.0)), 0.0)
    h = h * norm_src[:, None]
    msgs = jnp.take(h, src, axis=0)               # gather (SparseCore)
    agg = jnp.zeros_like(h).at[dst].add(msgs)     # scatter-add (SparseCore)
    agg = agg * norm_dst[:, None]
    return agg + b


def reference(x, edge_index, W1, b1, W2, b2, Wm1, bm1, Wm2, bm2):
    src = edge_index[0]
    dst = edge_index[1]
    n = x.shape[0]
    h = _graph_conv_both(x, src, dst, n, W1, b1)
    h = jax.nn.relu(h)
    # dropout(0.5, training=False) is identity at inference
    h = _graph_conv_both(h, src, dst, n, W2, b2)
    h = jax.nn.relu(h)
    # MLP with sigmoid activation between layers
    h = jax.nn.sigmoid(h @ Wm1 + bm1)
    out = h @ Wm2 + bm2
    return out

if __name__ == "__main__":
    import jax
    _d = setup_inputs()
    print(jax.jit(kernel)(*tuple(_d.values())))

</pallas_src>

<mosaic_0001>
#map = affine_map<(d0, d1) -> (0, 0)>
#map1 = affine_map<(d0, d1) -> (0, 0, 0)>
module attributes {stable_mosaic.version = 14 : i64} {
  func.func @agg(%arg0: i32, %arg1: i32, %arg2: memref<10240x128xf32, #tpu.memory_space<hbm>>, %arg3: memref<32x80x128xi32, #tpu.memory_space<hbm>>, %arg4: memref<32x80x128xi32, #tpu.memory_space<hbm>>, %arg5: memref<2x10240x128xf32, #tpu.memory_space<hbm>>, %arg6: memref<80x128xi32, #tpu.memory_space<vmem>>, %arg7: memref<40x128xi32, #tpu.memory_space<vmem>>, %arg8: memref<128x128xf32, #tpu.memory_space<vmem>>, %arg9: memref<128x128xf32, #tpu.memory_space<vmem>>, %arg10: memref<1x128xi32, #tpu.memory_space<vmem>>, %arg11: memref<10240x128xf32, #tpu.memory_space<vmem_shared>>, %arg12: memref<!tpu.dma_semaphore, #tpu.memory_space<semaphore_mem>>, %arg13: memref<!tpu.dma_semaphore, #tpu.memory_space<semaphore_mem>>, %arg14: memref<!tpu.dma_semaphore, #tpu.memory_space<semaphore_mem>>) attributes {dimension_semantics = [#tpu.dimension_semantics<core_parallel>, #tpu.dimension_semantics<subcore_parallel>], iteration_bounds = array<i64: 2, 16>, scalar_prefetch = 0 : i64, scratch_operands = 9 : i64, tpu.core_type = #tpu.core_type<sc_vector_subcore>, window_params = [{transform_indices = #map}, {transform_indices = #map1}, {transform_indices = #map1}, {transform_indices = #map1}]} {
    %mul3A = arith.constant 16 : i32
    %mul3A_0 = arith.muli %arg0, %mul3A : i32
    %add3A = arith.addi %mul3A_0, %arg1 : i32
    "tpu.region"() ({
      %run_scoped3A_128 = tpu.sem_alloc : memref<!tpu.dma_semaphore, #tpu.memory_space<semaphore_mem>>
      %dma_start3A_129 = arith.constant 0 : i32
      %dma_start3A_130 = arith.constant 0 : i32
      %dma_start3A_131 = tpu.memref_slice %arg3[%add3A, %dma_start3A_129, %dma_start3A_130] : memref<32x80x128xi32, #tpu.memory_space<hbm>> -> memref<1x80x128xi32, #tpu.memory_space<hbm>>
      %dma_start3A_132 = tpu.memref_squeeze %dma_start3A_131 : memref<1x80x128xi32, #tpu.memory_space<hbm>> -> memref<80x128xi32, #tpu.memory_space<hbm>>
      %dma_start3A_133 = arith.constant 0 : i32
      %dma_start3A_134 = arith.constant 0 : i32
      %dma_start3A_135 = tpu.memref_slice %arg3[%add3A, %dma_start3A_133, %dma_start3A_134] : memref<32x80x128xi32, #tpu.memory_space<hbm>> -> memref<1x80x128xi32, #tpu.memory_space<hbm>>
      %dma_start3A_136 = tpu.memref_squeeze %dma_start3A_135 : memref<1x80x128xi32, #tpu.memory_space<hbm>> -> memref<80x128xi32, #tpu.memory_space<hbm>>
      tpu.enqueue_dma source(%dma_start3A_136 : memref<80x128xi32, #tpu.memory_space<hbm>>) target(%arg6 : memref<80x128xi32, #tpu.memory_space<vmem>>) target_semaphore(%run_scoped3A_128 : memref<!tpu.dma_semaphore, #tpu.memory_space<semaphore_mem>>)
      %dma_wait3A_137 = arith.constant 0 : i32
      %dma_wait3A_138 = arith.constant 0 : i32
      %dma_wait3A_139 = tpu.memref_slice %arg3[%add3A, %dma_wait3A_137, %dma_wait3A_138] : memref<32x80x128xi32, #tpu.memory_space<hbm>> -> memref<1x80x128xi32, #tpu.memory_space<hbm>>
      %dma_wait3A_140 = tpu.memref_squeeze %dma_wait3A_139 : memref<1x80x128xi32, #tpu.memory_space<hbm>> -> memref<80x128xi32, #tpu.memory_space<hbm>>
      %dma_wait3A_141 = arith.constant 0 : i32
      %dma_wait3A_142 = arith.constant 0 : i32
      %dma_wait3A_143 = tpu.memref_slice %arg3[%add3A, %dma_wait3A_141, %dma_wait3A_142] : memref<32x80x128xi32, #tpu.memory_space<hbm>> -> memref<1x80x128xi32, #tpu.memory_space<hbm>>
      %dma_wait3A_144 = tpu.memref_squeeze %dma_wait3A_143 : memref<1x80x128xi32, #tpu.memory_space<hbm>> -> memref<80x128xi32, #tpu.memory_space<hbm>>
      tpu.wait_dma2 semaphore(%run_scoped3A_128 : memref<!tpu.dma_semaphore, #tpu.memory_space<semaphore_mem>>) src(%dma_wait3A_144 : memref<80x128xi32, #tpu.memory_space<hbm>>) dst(%arg6 : memref<80x128xi32, #tpu.memory_space<vmem>>)
      tpu.yield
    }) : () -> ()
    %mul3A_1 = arith.constant 640 : i32
    %mul3A_2 = arith.muli %arg1, %mul3A_1 : i32
    %dma_start3A = arith.constant 0 : i32
    %dma_start3A_3 = arith.constant 0 : i32
    %dma_start3A_4 = tpu.memref_slice %arg6[%dma_start3A, %dma_start3A_3] : memref<80x128xi32, #tpu.memory_space<vmem>> -> memref<1x128xi32, #tpu.memory_space<vmem>>
    %dma_start3A_5 = tpu.memref_squeeze %dma_start3A_4 : memref<1x128xi32, #tpu.memory_space<vmem>> -> memref<128xi32, #tpu.memory_space<vmem>>
    %dma_start3A_6 = arith.constant 0 : i32
    %dma_start3A_7 = arith.constant 0 : i32
    %dma_start3A_8 = tpu.memref_slice %arg2[%dma_start3A_6, %dma_start3A_7] : memref<10240x128xf32, #tpu.memory_space<hbm>> -> memref<10240x128xf32, #tpu.memory_space<hbm>>
    tpu.enqueue_indirect_dma source(%dma_start3A_8 : memref<10240x128xf32, #tpu.memory_space<hbm>>) target(%arg8 : memref<128x128xf32, #tpu.memory_space<vmem>>) offsets(%dma_start3A_5 : memref<128xi32, #tpu.memory_space<vmem>>) semaphore(%arg12 : memref<!tpu.dma_semaphore, #tpu.memory_space<semaphore_mem>>)
    "tpu.region"() ({
      %run_scoped3A_128 = tpu.sem_alloc : memref<!tpu.dma_semaphore, #tpu.memory_space<semaphore_mem>>
      %dma_start3A_129 = arith.constant 0 : i32
      %dma_start3A_130 = arith.constant 0 : i32
      %dma_start3A_131 = tpu.memref_slice %arg4[%add3A, %dma_start3A_129, %dma_start3A_130] : memref<32x80x128xi32, #tpu.memory_space<hbm>> -> memref<1x40x128xi32, #tpu.memory_space<hbm>>
      %dma_start3A_132 = tpu.memref_squeeze %dma_start3A_131 : memref<1x40x128xi32, #tpu.memory_space<hbm>> -> memref<40x128xi32, #tpu.memory_space<hbm>>
      %dma_start3A_133 = arith.constant 0 : i32
      %dma_start3A_134 = arith.constant 0 : i32
      %dma_start3A_135 = tpu.memref_slice %arg4[%add3A, %dma_start3A_133, %dma_start3A_134] : memref<32x80x128xi32, #tpu.memory_space<hbm>> -> memref<1x40x128xi32, #tpu.memory_space<hbm>>
      %dma_start3A_136 = tpu.memref_squeeze %dma_start3A_135 : memref<1x40x128xi32, #tpu.memory_space<hbm>> -> memref<40x128xi32, #tpu.memory_space<hbm>>
      tpu.enqueue_dma source(%dma_start3A_136 : memref<40x128xi32, #tpu.memory_space<hbm>>) target(%arg7 : memref<40x128xi32, #tpu.memory_space<vmem>>) target_semaphore(%run_scoped3A_128 : memref<!tpu.dma_semaphore, #tpu.memory_space<semaphore_mem>>)
      %dma_wait3A_137 = arith.constant 0 : i32
      %dma_wait3A_138 = arith.constant 0 : i32
      %dma_wait3A_139 = tpu.memref_slice %arg4[%add3A, %dma_wait3A_137, %dma_wait3A_138] : memref<32x80x128xi32, #tpu.memory_space<hbm>> -> memref<1x40x128xi32, #tpu.memory_space<hbm>>
      %dma_wait3A_140 = tpu.memref_squeeze %dma_wait3A_139 : memref<1x40x128xi32, #tpu.memory_space<hbm>> -> memref<40x128xi32, #tpu.memory_space<hbm>>
      %dma_wait3A_141 = arith.constant 0 : i32
      %dma_wait3A_142 = arith.constant 0 : i32
      %dma_wait3A_143 = tpu.memref_slice %arg4[%add3A, %dma_wait3A_141, %dma_wait3A_142] : memref<32x80x128xi32, #tpu.memory_space<hbm>> -> memref<1x40x128xi32, #tpu.memory_space<hbm>>
      %dma_wait3A_144 = tpu.memref_squeeze %dma_wait3A_143 : memref<1x40x128xi32, #tpu.memory_space<hbm>> -> memref<40x128xi32, #tpu.memory_space<hbm>>
      tpu.wait_dma2 semaphore(%run_scoped3A_128 : memref<!tpu.dma_semaphore, #tpu.memory_space<semaphore_mem>>) src(%dma_wait3A_144 : memref<40x128xi32, #tpu.memory_space<hbm>>) dst(%arg7 : memref<40x128xi32, #tpu.memory_space<vmem>>)
      tpu.yield
    }) : () -> ()
    %mul3A_9 = arith.constant 7 : i32
    %mul3A_10 = arith.muli %arg1, %mul3A_9 : i32
    %add3A_11 = arith.constant 10000 : i32
    %add3A_12 = arith.addi %add3A_11, %mul3A_10 : i32
    %add3A_13 = arith.constant 0 : i32
    %add3A_14 = arith.addi %add3A_12, %add3A_13 : i32
    %iota3A = tpu.iota {dimensions = array<i32: 0>} : vector<16xi32>
    %add3A_15 = vector.broadcast %add3A_14 : i32 to vector<16xi32>
    %add3A_16 = arith.addi %add3A_15, %iota3A : vector<16xi32>
    %swap3A = arith.constant 0 : i32
    %swap3A_17 = arith.index_cast %swap3A : i32 to index
    %swap3A_18 = arith.constant 0 : index
    %swap3A_19 = tpu.vector_load %arg10[%swap3A_17, %swap3A_18] {strides = array<i32>} : memref<1x128xi32, #tpu.memory_space<vmem>>, vector<16xi32>,
    tpu.vector_store %arg10[%swap3A_17, %swap3A_18], %add3A_16 {strides = array<i32>} : memref<1x128xi32, #tpu.memory_space<vmem>>, vector<16xi32>,
    %add3A_20 = arith.constant 16 : i32
    %add3A_21 = arith.addi %add3A_12, %add3A_20 : i32
    %iota3A_22 = tpu.iota {dimensions = array<i32: 0>} : vector<16xi32>
    %add3A_23 = vector.broadcast %add3A_21 : i32 to vector<16xi32>
    %add3A_24 = arith.addi %add3A_23, %iota3A_22 : vector<16xi32>
    %swap3A_25 = arith.constant 0 : i32
    %swap3A_26 = arith.index_cast %swap3A_25 : i32 to index
    %swap3A_27 = arith.constant 16 : index
    %swap3A_28 = tpu.vector_load %arg10[%swap3A_26, %swap3A_27] {strides = array<i32>} : memref<1x128xi32, #tpu.memory_space<vmem>>, vector<16xi32>,
    tpu.vector_store %arg10[%swap3A_26, %swap3A_27], %add3A_24 {strides = array<i32>} : memref<1x128xi32, #tpu.memory_space<vmem>>, vector<16xi32>,
    %add3A_29 = arith.constant 32 : i32
    %add3A_30 = arith.addi %add3A_12, %add3A_29 : i32
    %iota3A_31 = tpu.iota {dimensions = array<i32: 0>} : vector<16xi32>
    %add3A_32 = vector.broadcast %add3A_30 : i32 to vector<16xi32>
    %add3A_33 = arith.addi %add3A_32, %iota3A_31 : vector<16xi32>
    %swap3A_34 = arith.constant 0 : i32
    %swap3A_35 = arith.index_cast %swap3A_34 : i32 to index
    %swap3A_36 = arith.constant 32 : index
    %swap3A_37 = tpu.vector_load %arg10[%swap3A_35, %swap3A_36] {strides = array<i32>} : memref<1x128xi32, #tpu.memory_space<vmem>>, vector<16xi32>,
    tpu.vector_store %arg10[%swap3A_35, %swap3A_36], %add3A_33 {strides = array<i32>} : memref<1x128xi32, #tpu.memory_space<vmem>>, vector<16xi32>,
    %add3A_38 = arith.constant 48 : i32
    %add3A_39 = arith.addi %add3A_12, %add3A_38 : i32
    %iota3A_40 = tpu.iota {dimensions = array<i32: 0>} : vector<16xi32>
    %add3A_41 = vector.broadcast %add3A_39 : i32 to vector<16xi32>
    %add3A_42 = arith.addi %add3A_41, %iota3A_40 : vector<16xi32>
    %swap3A_43 = arith.constant 0 : i32
    %swap3A_44 = arith.index_cast %swap3A_43 : i32 to index
    %swap3A_45 = arith.constant 48 : index
    %swap3A_46 = tpu.vector_load %arg10[%swap3A_44, %swap3A_45] {strides = array<i32>} : memref<1x128xi32, #tpu.memory_space<vmem>>, vector<16xi32>,
    tpu.vector_store %arg10[%swap3A_44, %swap3A_45], %add3A_42 {strides = array<i32>} : memref<1x128xi32, #tpu.memory_space<vmem>>, vector<16xi32>,
    %add3A_47 = arith.constant 64 : i32
    %add3A_48 = arith.addi %add3A_12, %add3A_47 : i32
    %iota3A_49 = tpu.iota {dimensions = array<i32: 0>} : vector<16xi32>
    %add3A_50 = vector.broadcast %add3A_48 : i32 to vector<16xi32>
    %add3A_51 = arith.addi %add3A_50, %iota3A_49 : vector<16xi32>
    %swap3A_52 = arith.constant 0 : i32
    %swap3A_53 = arith.index_cast %swap3A_52 : i32 to index
    %swap3A_54 = arith.constant 64 : index
    %swap3A_55 = tpu.vector_load %arg10[%swap3A_53, %swap3A_54] {strides = array<i32>} : memref<1x128xi32, #tpu.memory_space<vmem>>, vector<16xi32>,
    tpu.vector_store %arg10[%swap3A_53, %swap3A_54], %add3A_51 {strides = array<i32>} : memref<1x128xi32, #tpu.memory_space<vmem>>, vector<16xi32>,
    %add3A_56 = arith.constant 80 : i32
    %add3A_57 = arith.addi %add3A_12, %add3A_56 : i32
    %iota3A_58 = tpu.iota {dimensions = array<i32: 0>} : vector<16xi32>
    %add3A_59 = vector.broadcast %add3A_57 : i32 to vector<16xi32>
    %add3A_60 = arith.addi %add3A_59, %iota3A_58 : vector<16xi32>
    %swap3A_61 = arith.constant 0 : i32
    %swap3A_62 = arith.index_cast %swap3A_61 : i32 to index
    %swap3A_63 = arith.constant 80 : index
    %swap3A_64 = tpu.vector_load %arg10[%swap3A_62, %swap3A_63] {strides = array<i32>} : memref<1x128xi32, #tpu.memory_space<vmem>>, vector<16xi32>,
    tpu.vector_store %arg10[%swap3A_62, %swap3A_63], %add3A_60 {strides = array<i32>} : memref<1x128xi32, #tpu.memory_space<vmem>>, vector<16xi32>,
    %add3A_65 = arith.constant 96 : i32
    %add3A_66 = arith.addi %add3A_12, %add3A_65 : i32
    %iota3A_67 = tpu.iota {dimensions = array<i32: 0>} : vector<16xi32>
    %add3A_68 = vector.broadcast %add3A_66 : i32 to vector<16xi32>
    %add3A_69 = arith.addi %add3A_68, %iota3A_67 : vector<16xi32>
    %swap3A_70 = arith.constant 0 : i32
    %swap3A_71 = arith.index_cast %swap3A_70 : i32 to index
    %swap3A_72 = arith.constant 96 : index
    %swap3A_73 = tpu.vector_load %arg10[%swap3A_71, %swap3A_72] {strides = array<i32>} : memref<1x128xi32, #tpu.memory_space<vmem>>, vector<16xi32>,
    tpu.vector_store %arg10[%swap3A_71, %swap3A_72], %add3A_69 {strides = array<i32>} : memref<1x128xi32, #tpu.memory_space<vmem>>, vector<16xi32>,
    %add3A_74 = arith.constant 112 : i32
    %add3A_75 = arith.addi %add3A_12, %add3A_74 : i32
    %iota3A_76 = tpu.iota {dimensions = array<i32: 0>} : vector<16xi32>
    %add3A_77 = vector.broadcast %add3A_75 : i32 to vector<16xi32>
    %add3A_78 = arith.addi %add3A_77, %iota3A_76 : vector<16xi32>
    %swap3A_79 = arith.constant 0 : i32
    %swap3A_80 = arith.index_cast %swap3A_79 : i32 to index
    %swap3A_81 = arith.constant 112 : index
    %swap3A_82 = tpu.vector_load %arg10[%swap3A_80, %swap3A_81] {strides = array<i32>} : memref<1x128xi32, #tpu.memory_space<vmem>>, vector<16xi32>,
    tpu.vector_store %arg10[%swap3A_80, %swap3A_81], %add3A_78 {strides = array<i32>} : memref<1x128xi32, #tpu.memory_space<vmem>>, vector<16xi32>,
    %run_scoped3A = arith.constant 0 : i32
    "tpu.region"() ({
      %run_scoped3A_128 = tpu.sem_alloc : memref<!tpu.dma_semaphore, #tpu.memory_space<semaphore_mem>>
      %dma_start3A_129 = arith.constant 0 : i32
      %dma_start3A_130 = tpu.memref_slice %arg10[%run_scoped3A, %dma_start3A_129] : memref<1x128xi32, #tpu.memory_space<vmem>> -> memref<1x128xi32, #tpu.memory_space<vmem>>
      %dma_start3A_131 = tpu.memref_squeeze %dma_start3A_130 : memref<1x128xi32, #tpu.memory_space<vmem>> -> memref<128xi32, #tpu.memory_space<vmem>>
      %dma_start3A_132 = arith.constant 0 : i32
      %dma_start3A_133 = arith.constant 0 : i32
      %dma_start3A_134 = tpu.memref_slice %arg2[%dma_start3A_132, %dma_start3A_133] : memref<10240x128xf32, #tpu.memory_space<hbm>> -> memref<10240x128xf32, #tpu.memory_space<hbm>>
      tpu.enqueue_indirect_dma source(%dma_start3A_134 : memref<10240x128xf32, #tpu.memory_space<hbm>>) target(%arg9 : memref<128x128xf32, #tpu.memory_space<vmem>>) offsets(%dma_start3A_131 : memref<128xi32, #tpu.memory_space<vmem>>) semaphore(%run_scoped3A_128 : memref<!tpu.dma_semaphore, #tpu.memory_space<semaphore_mem>>)
      %dma_wait3A_135 = arith.constant 0 : i32
      %dma_wait3A_136 = tpu.memref_slice %arg10[%run_scoped3A, %dma_wait3A_135] : memref<1x128xi32, #tpu.memory_space<vmem>> -> memref<1x128xi32, #tpu.memory_space<vmem>>
      %dma_wait3A_137 = tpu.memref_squeeze %dma_wait3A_136 : memref<1x128xi32, #tpu.memory_space<vmem>> -> memref<128xi32, #tpu.memory_space<vmem>>
      %dma_wait3A_138 = arith.constant 0 : i32
      %dma_wait3A_139 = arith.constant 0 : i32
      %dma_wait3A_140 = tpu.memref_slice %arg2[%dma_wait3A_138, %dma_wait3A_139] : memref<10240x128xf32, #tpu.memory_space<hbm>> -> memref<10240x128xf32, #tpu.memory_space<hbm>>
      tpu.wait_indirect_dma semaphore(%run_scoped3A_128 : memref<!tpu.dma_semaphore, #tpu.memory_space<semaphore_mem>>) src(%dma_wait3A_140 : memref<10240x128xf32, #tpu.memory_space<hbm>>) dst(%arg9 : memref<128x128xf32, #tpu.memory_space<vmem>>)
      tpu.yield
    }) : () -> ()
    %scan3A = arith.constant 0 : i32
    %scan3A_83 = arith.constant 5 : i32
    %scan3A_84 = arith.addi %scan3A, %scan3A_83 : i32
    %scan3A_85 = arith.constant 1 : i32
    scf.for %scan3A_128 = %scan3A to %scan3A_84 step %scan3A_85  : i32 {
      %mul3A_129 = arith.constant 1 : i32
      %mul3A_130 = arith.muli %scan3A_128, %mul3A_129 : i32
      %add3A_131 = arith.constant 0 : i32
      %add3A_132 = arith.addi %add3A_131, %mul3A_130 : i32
      %mul3A_133 = arith.constant 128 : i32
      %mul3A_134 = arith.muli %add3A_132, %mul3A_133 : i32
      %add3A_135 = arith.addi %mul3A_2, %mul3A_134 : i32
      "tpu.region"() ({
        %run_scoped3A_136 = tpu.sem_alloc : memref<!tpu.dma_semaphore, #tpu.memory_space<semaphore_mem>>
        %dma_start3A_137 = arith.constant 0 : i32
        %dma_start3A_138 = tpu.memref_slice %arg11[%add3A_135, %dma_start3A_137] : memref<10240x128xf32, #tpu.memory_space<vmem_shared>> -> memref<128x128xf32, #tpu.memory_space<vmem_shared>>
        %dma_start3A_139 = arith.constant 0 : i32
        %dma_start3A_140 = tpu.memref_slice %arg11[%add3A_135, %dma_start3A_139] : memref<10240x128xf32, #tpu.memory_space<vmem_shared>> -> memref<128x128xf32, #tpu.memory_space<vmem_shared>>
        tpu.enqueue_dma source(%arg9 : memref<128x128xf32, #tpu.memory_space<vmem>>) target(%dma_start3A_140 : memref<128x128xf32, #tpu.memory_space<vmem_shared>>) target_semaphore(%run_scoped3A_136 : memref<!tpu.dma_semaphore, #tpu.memory_space<semaphore_mem>>)
        %dma_wait3A_141 = arith.constant 0 : i32
        %dma_wait3A_142 = tpu.memref_slice %arg11[%add3A_135, %dma_wait3A_141] : memref<10240x128xf32, #tpu.memory_space<vmem_shared>> -> memref<128x128xf32, #tpu.memory_space<vmem_shared>>
        %dma_wait3A_143 = arith.constant 0 : i32
        %dma_wait3A_144 = tpu.memref_slice %arg11[%add3A_135, %dma_wait3A_143] : memref<10240x128xf32, #tpu.memory_space<vmem_shared>> -> memref<128x128xf32, #tpu.memory_space<vmem_shared>>
        tpu.wait_dma2 semaphore(%run_scoped3A_136 : memref<!tpu.dma_semaphore, #tpu.memory_space<semaphore_mem>>) src(%arg9 : memref<128x128xf32, #tpu.memory_space<vmem>>) dst(%dma_wait3A_144 : memref<128x128xf32, #tpu.memory_space<vmem_shared>>)
        tpu.yield
      }) : () -> ()
    }
    %scan3A_86 = arith.constant 5 : i32
    %barrier3A = arith.constant 0 : index
    tpu.barrier barrier_id(%barrier3A)
    %dma_start3A_87 = arith.constant 1 : i32
    %dma_start3A_88 = arith.constant 0 : i32
    %dma_start3A_89 = tpu.memref_slice %arg6[%dma_start3A_87, %dma_start3A_88] : memref<80x128xi32, #tpu.memory_space<vmem>> -> memref<1x128xi32, #tpu.memory_space<vmem>>
    %dma_start3A_90 = tpu.memref_squeeze %dma_start3A_89 : memref<1x128xi32, #tpu.memory_space<vmem>> -> memref<128xi32, #tpu.memory_space<vmem>>
    %dma_start3A_91 = arith.constant 0 : i32
    %dma_start3A_92 = arith.constant 0 : i32
    %dma_start3A_93 = tpu.memref_slice %arg2[%dma_start3A_91, %dma_start3A_92] : memref<10240x128xf32, #tpu.memory_space<hbm>> -> memref<10240x128xf32, #tpu.memory_space<hbm>>
    tpu.enqueue_indirect_dma source(%dma_start3A_93 : memref<10240x128xf32, #tpu.memory_space<hbm>>) target(%arg9 : memref<128x128xf32, #tpu.memory_space<vmem>>) offsets(%dma_start3A_90 : memref<128xi32, #tpu.memory_space<vmem>>) semaphore(%arg13 : memref<!tpu.dma_semaphore, #tpu.memory_space<semaphore_mem>>)
    %scan3A_94 = arith.constant 0 : i32
    %scan3A_95 = arith.constant 39 : i32
    %scan3A_96 = arith.addi %scan3A_94, %scan3A_95 : i32
    %scan3A_97 = arith.constant 1 : i32
    scf.for %scan3A_128 = %scan3A_94 to %scan3A_96 step %scan3A_97  : i32 {
      %mul3A_129 = arith.constant 2 : i32
      %mul3A_130 = arith.muli %scan3A_128, %mul3A_129 : i32
      %add3A_131 = arith.constant 0 : i32
      %add3A_132 = arith.addi %add3A_131, %mul3A_130 : i32
      %rem3A_133 = arith.constant 40 : i32
      %rem3A_134 = arith.remsi %add3A_132, %rem3A_133 : i32
      %eq3A = arith.constant 0 : i32
      %eq3A_135 = arith.cmpi eq, %rem3A_134, %eq3A : i32
      %gt3A = arith.constant 0 : i32
      %gt3A_136 = arith.cmpi sgt, %add3A_132, %gt3A : i32
      %and3A = arith.andi %eq3A_135, %gt3A_136 : i1
      %convert_element_type3A = arith.extui %and3A : i1 to i32
      %cond3A = arith.constant 0 : i32
      %cond3A_137 = arith.cmpi ne, %convert_element_type3A, %cond3A : i32
      scf.if %cond3A_137 {
        %multiple_of3A = tpu.assume_multiple %add3A_132, 40 : i32
        "tpu.region"() ({
          %run_scoped3A_168 = tpu.sem_alloc : memref<!tpu.dma_semaphore, #tpu.memory_space<semaphore_mem>>
          %dma_start3A_169 = arith.constant 0 : i32
          %dma_start3A_170 = tpu.memref_slice %arg4[%add3A, %multiple_of3A, %dma_start3A_169] : memref<32x80x128xi32, #tpu.memory_space<hbm>> -> memref<1x40x128xi32, #tpu.memory_space<hbm>>
          %dma_start3A_171 = tpu.memref_squeeze %dma_start3A_170 : memref<1x40x128xi32, #tpu.memory_space<hbm>> -> memref<40x128xi32, #tpu.memory_space<hbm>>
          %dma_start3A_172 = arith.constant 0 : i32
          %dma_start3A_173 = tpu.memref_slice %arg4[%add3A, %multiple_of3A, %dma_start3A_172] : memref<32x80x128xi32, #tpu.memory_space<hbm>> -> memref<1x40x128xi32, #tpu.memory_space<hbm>>
          %dma_start3A_174 = tpu.memref_squeeze %dma_start3A_173 : memref<1x40x128xi32, #tpu.memory_space<hbm>> -> memref<40x128xi32, #tpu.memory_space<hbm>>
          tpu.enqueue_dma source(%dma_start3A_174 : memref<40x128xi32, #tpu.memory_space<hbm>>) target(%arg7 : memref<40x128xi32, #tpu.memory_space<vmem>>) target_semaphore(%run_scoped3A_168 : memref<!tpu.dma_semaphore, #tpu.memory_space<semaphore_mem>>)
          %dma_wait3A_175 = arith.constant 0 : i32
          %dma_wait3A_176 = tpu.memref_slice %arg4[%add3A, %multiple_of3A, %dma_wait3A_175] : memref<32x80x128xi32, #tpu.memory_space<hbm>> -> memref<1x40x128xi32, #tpu.memory_space<hbm>>
          %dma_wait3A_177 = tpu.memref_squeeze %dma_wait3A_176 : memref<1x40x128xi32, #tpu.memory_space<hbm>> -> memref<40x128xi32, #tpu.memory_space<hbm>>
          %dma_wait3A_178 = arith.constant 0 : i32
          %dma_wait3A_179 = tpu.memref_slice %arg4[%add3A, %multiple_of3A, %dma_wait3A_178] : memref<32x80x128xi32, #tpu.memory_space<hbm>> -> memref<1x40x128xi32, #tpu.memory_space<hbm>>
          %dma_wait3A_180 = tpu.memref_squeeze %dma_wait3A_179 : memref<1x40x128xi32, #tpu.memory_space<hbm>> -> memref<40x128xi32, #tpu.memory_space<hbm>>
          tpu.wait_dma2 semaphore(%run_scoped3A_168 : memref<!tpu.dma_semaphore, #tpu.memory_space<semaphore_mem>>) src(%dma_wait3A_180 : memref<40x128xi32, #tpu.memory_space<hbm>>) dst(%arg7 : memref<40x128xi32, #tpu.memory_space<vmem>>)
          tpu.yield
        }) : () -> ()
      } else {
      }
      %dma_wait3A_138 = arith.constant 0 : i32
      %dma_wait3A_139 = tpu.memref_slice %arg6[%add3A_132, %dma_wait3A_138] : memref<80x128xi32, #tpu.memory_space<vmem>> -> memref<1x128xi32, #tpu.memory_space<vmem>>
      %dma_wait3A_140 = tpu.memref_squeeze %dma_wait3A_139 : memref<1x128xi32, #tpu.memory_space<vmem>> -> memref<128xi32, #tpu.memory_space<vmem>>
      %dma_wait3A_141 = arith.constant 0 : i32
      %dma_wait3A_142 = arith.constant 0 : i32
      %dma_wait3A_143 = tpu.memref_slice %arg2[%dma_wait3A_141, %dma_wait3A_142] : memref<10240x128xf32, #tpu.memory_space<hbm>> -> memref<10240x128xf32, #tpu.memory_space<hbm>>
      tpu.wait_indirect_dma semaphore(%arg12 : memref<!tpu.dma_semaphore, #tpu.memory_space<semaphore_mem>>) src(%dma_wait3A_143 : memref<10240x128xf32, #tpu.memory_space<hbm>>) dst(%arg8 : memref<128x128xf32, #tpu.memory_space<vmem>>)
      "tpu.region"() ({
        %run_scoped3A_168 = tpu.sem_alloc : memref<!tpu.dma_semaphore, #tpu.memory_space<semaphore_mem>>
        %dma_start3A_169 = arith.constant 0 : i32
        %dma_start3A_170 = tpu.memref_slice %arg7[%rem3A_134, %dma_start3A_169] : memref<40x128xi32, #tpu.memory_space<vmem>> -> memref<1x128xi32, #tpu.memory_space<vmem>>
        %dma_start3A_171 = tpu.memref_squeeze %dma_start3A_170 : memref<1x128xi32, #tpu.memory_space<vmem>> -> memref<128xi32, #tpu.memory_space<vmem>>
        %dma_start3A_172 = arith.constant 0 : i32
        %dma_start3A_173 = arith.constant 0 : i32
        %dma_start3A_174 = tpu.memref_slice %arg11[%dma_start3A_172, %dma_start3A_173] : memref<10240x128xf32, #tpu.memory_space<vmem_shared>> -> memref<10240x128xf32, #tpu.memory_space<vmem_shared>>
        tpu.enqueue_indirect_dma source(%arg8 : memref<128x128xf32, #tpu.memory_space<vmem>>) target(%dma_start3A_174 : memref<10240x128xf32, #tpu.memory_space<vmem_shared>>) offsets(%dma_start3A_171 : memref<128xi32, #tpu.memory_space<vmem>>) semaphore(%run_scoped3A_168 : memref<!tpu.dma_semaphore, #tpu.memory_space<semaphore_mem>>) {add = true}
        %dma_wait3A_175 = arith.constant 0 : i32
        %dma_wait3A_176 = tpu.memref_slice %arg7[%rem3A_134, %dma_wait3A_175] : memref<40x128xi32, #tpu.memory_space<vmem>> -> memref<1x128xi32, #tpu.memory_space<vmem>>
        %dma_wait3A_177 = tpu.memref_squeeze %dma_wait3A_176 : memref<1x128xi32, #tpu.memory_space<vmem>> -> memref<128xi32, #tpu.memory_space<vmem>>
        %dma_wait3A_178 = arith.constant 0 : i32
        %dma_wait3A_179 = arith.constant 0 : i32
        %dma_wait3A_180 = tpu.memref_slice %arg11[%dma_wait3A_178, %dma_wait3A_179] : memref<10240x128xf32, #tpu.memory_space<vmem_shared>> -> memref<10240x128xf32, #tpu.memory_space<vmem_shared>>
        tpu.wait_indirect_dma semaphore(%run_scoped3A_168 : memref<!tpu.dma_semaphore, #tpu.memory_space<semaphore_mem>>) src(%arg8 : memref<128x128xf32, #tpu.memory_space<vmem>>) dst(%dma_wait3A_180 : memref<10240x128xf32, #tpu.memory_space<vmem_shared>>)
        tpu.yield
      }) : () -> ()
      %add3A_144 = arith.constant 2 : i32
      %add3A_145 = arith.addi %add3A_132, %add3A_144 : i32
      %dma_start3A_146 = arith.constant 0 : i32
      %dma_start3A_147 = tpu.memref_slice %arg6[%add3A_145, %dma_start3A_146] : memref<80x128xi32, #tpu.memory_space<vmem>> -> memref<1x128xi32, #tpu.memory_space<vmem>>
      %dma_start3A_148 = tpu.memref_squeeze %dma_start3A_147 : memref<1x128xi32, #tpu.memory_space<vmem>> -> memref<128xi32, #tpu.memory_space<vmem>>
      %dma_start3A_149 = arith.constant 0 : i32
      %dma_start3A_150 = arith.constant 0 : i32
      %dma_start3A_151 = tpu.memref_slice %arg2[%dma_start3A_149, %dma_start3A_150] : memref<10240x128xf32, #tpu.memory_space<hbm>> -> memref<10240x128xf32, #tpu.memory_space<hbm>>
      tpu.enqueue_indirect_dma source(%dma_start3A_151 : memref<10240x128xf32, #tpu.memory_space<hbm>>) target(%arg8 : memref<128x128xf32, #tpu.memory_space<vmem>>) offsets(%dma_start3A_148 : memref<128xi32, #tpu.memory_space<vmem>>) semaphore(%arg12 : memref<!tpu.dma_semaphore, #tpu.memory_space<semaphore_mem>>)
      %add3A_152 = arith.constant 1 : i32
      %add3A_153 = arith.addi %add3A_132, %add3A_152 : i32
      %dma_wait3A_154 = arith.constant 0 : i32
      %dma_wait3A_155 = tpu.memref_slice %arg6[%add3A_153, %dma_wait3A_154] : memref<80x128xi32, #tpu.memory_space<vmem>> -> memref<1x128xi32, #tpu.memory_space<vmem>>
      %dma_wait3A_156 = tpu.memref_squeeze %dma_wait3A_155 : memref<1x128xi32, #tpu.memory_space<vmem>> -> memref<128xi32, #tpu.memory_space<vmem>>
      %dma_wait3A_157 = arith.constant 0 : i32
      %dma_wait3A_158 = arith.constant 0 : i32
      %dma_wait3A_159 = tpu.memref_slice %arg2[%dma_wait3A_157, %dma_wait3A_158] : memref<10240x128xf32, #tpu.memory_space<hbm>> -> memref<10240x128xf32, #tpu.memory_space<hbm>>
      tpu.wait_indirect_dma semaphore(%arg13 : memref<!tpu.dma_semaphore, #tpu.memory_space<semaphore_mem>>) src(%dma_wait3A_159 : memref<10240x128xf32, #tpu.memory_space<hbm>>) dst(%arg9 : memref<128x128xf32, #tpu.memory_space<vmem>>)
      %add3A_160 = arith.constant 1 : i32
      %add3A_161 = arith.addi %rem3A_134, %add3A_160 : i32
      "tpu.region"() ({
        %run_scoped3A_168 = tpu.sem_alloc : memref<!tpu.dma_semaphore, #tpu.memory_space<semaphore_mem>>
        %dma_start3A_169 = arith.constant 0 : i32
        %dma_start3A_170 = tpu.memref_slice %arg7[%add3A_161, %dma_start3A_169] : memref<40x128xi32, #tpu.memory_space<vmem>> -> memref<1x128xi32, #tpu.memory_space<vmem>>
        %dma_start3A_171 = tpu.memref_squeeze %dma_start3A_170 : memref<1x128xi32, #tpu.memory_space<vmem>> -> memref<128xi32, #tpu.memory_space<vmem>>
        %dma_start3A_172 = arith.constant 0 : i32
        %dma_start3A_173 = arith.constant 0 : i32
        %dma_start3A_174 = tpu.memref_slice %arg11[%dma_start3A_172, %dma_start3A_173] : memref<10240x128xf32, #tpu.memory_space<vmem_shared>> -> memref<10240x128xf32, #tpu.memory_space<vmem_shared>>
        tpu.enqueue_indirect_dma source(%arg9 : memref<128x128xf32, #tpu.memory_space<vmem>>) target(%dma_start3A_174 : memref<10240x128xf32, #tpu.memory_space<vmem_shared>>) offsets(%dma_start3A_171 : memref<128xi32, #tpu.memory_space<vmem>>) semaphore(%run_scoped3A_168 : memref<!tpu.dma_semaphore, #tpu.memory_space<semaphore_mem>>) {add = true}
        %dma_wait3A_175 = arith.constant 0 : i32
        %dma_wait3A_176 = tpu.memref_slice %arg7[%add3A_161, %dma_wait3A_175] : memref<40x128xi32, #tpu.memory_space<vmem>> -> memref<1x128xi32, #tpu.memory_space<vmem>>
        %dma_wait3A_177 = tpu.memref_squeeze %dma_wait3A_176 : memref<1x128xi32, #tpu.memory_space<vmem>> -> memref<128xi32, #tpu.memory_space<vmem>>
        %dma_wait3A_178 = arith.constant 0 : i32
        %dma_wait3A_179 = arith.constant 0 : i32
        %dma_wait3A_180 = tpu.memref_slice %arg11[%dma_wait3A_178, %dma_wait3A_179] : memref<10240x128xf32, #tpu.memory_space<vmem_shared>> -> memref<10240x128xf32, #tpu.memory_space<vmem_shared>>
        tpu.wait_indirect_dma semaphore(%run_scoped3A_168 : memref<!tpu.dma_semaphore, #tpu.memory_space<semaphore_mem>>) src(%arg9 : memref<128x128xf32, #tpu.memory_space<vmem>>) dst(%dma_wait3A_180 : memref<10240x128xf32, #tpu.memory_space<vmem_shared>>)
        tpu.yield
      }) : () -> ()
      %add3A_162 = arith.constant 3 : i32
      %add3A_163 = arith.addi %add3A_132, %add3A_162 : i32
      %lt3A = arith.constant 80 : i32
      %lt3A_164 = arith.cmpi slt, %add3A_163, %lt3A : i32
      %convert_element_type3A_165 = arith.extui %lt3A_164 : i1 to i32
      %cond3A_166 = arith.constant 0 : i32
      %cond3A_167 = arith.cmpi ne, %convert_element_type3A_165, %cond3A_166 : i32
      scf.if %cond3A_167 {
        %add3A_168 = arith.constant 3 : i32
        %add3A_169 = arith.addi %add3A_132, %add3A_168 : i32
        %dma_start3A_170 = arith.constant 0 : i32
        %dma_start3A_171 = tpu.memref_slice %arg6[%add3A_169, %dma_start3A_170] : memref<80x128xi32, #tpu.memory_space<vmem>> -> memref<1x128xi32, #tpu.memory_space<vmem>>
        %dma_start3A_172 = tpu.memref_squeeze %dma_start3A_171 : memref<1x128xi32, #tpu.memory_space<vmem>> -> memref<128xi32, #tpu.memory_space<vmem>>
        %dma_start3A_173 = arith.constant 0 : i32
        %dma_start3A_174 = arith.constant 0 : i32
        %dma_start3A_175 = tpu.memref_slice %arg2[%dma_start3A_173, %dma_start3A_174] : memref<10240x128xf32, #tpu.memory_space<hbm>> -> memref<10240x128xf32, #tpu.memory_space<hbm>>
        tpu.enqueue_indirect_dma source(%dma_start3A_175 : memref<10240x128xf32, #tpu.memory_space<hbm>>) target(%arg9 : memref<128x128xf32, #tpu.memory_space<vmem>>) offsets(%dma_start3A_172 : memref<128xi32, #tpu.memory_space<vmem>>) semaphore(%arg13 : memref<!tpu.dma_semaphore, #tpu.memory_space<semaphore_mem>>)
      } else {
      }
    }
    %scan3A_98 = arith.constant 39 : i32
    %dma_wait3A = arith.constant 78 : i32
    %dma_wait3A_99 = arith.constant 0 : i32
    %dma_wait3A_100 = tpu.memref_slice %arg6[%dma_wait3A, %dma_wait3A_99] : memref<80x128xi32, #tpu.memory_space<vmem>> -> memref<1x128xi32, #tpu.memory_space<vmem>>
    %dma_wait3A_101 = tpu.memref_squeeze %dma_wait3A_100 : memref<1x128xi32, #tpu.memory_space<vmem>> -> memref<128xi32, #tpu.memory_space<vmem>>
    %dma_wait3A_102 = arith.constant 0 : i32
    %dma_wait3A_103 = arith.constant 0 : i32
    %dma_wait3A_104 = tpu.memref_slice %arg2[%dma_wait3A_102, %dma_wait3A_103] : memref<10240x128xf32, #tpu.memory_space<hbm>> -> memref<10240x128xf32, #tpu.memory_space<hbm>>
    tpu.wait_indirect_dma semaphore(%arg12 : memref<!tpu.dma_semaphore, #tpu.memory_space<semaphore_mem>>) src(%dma_wait3A_104 : memref<10240x128xf32, #tpu.memory_space<hbm>>) dst(%arg8 : memref<128x128xf32, #tpu.memory_space<vmem>>)
    %rem3A = arith.constant 78 : i32
    %rem3A_105 = arith.constant 40 : i32
    %rem3A_106 = arith.remsi %rem3A, %rem3A_105 : i32
    "tpu.region"() ({
      %run_scoped3A_128 = tpu.sem_alloc : memref<!tpu.dma_semaphore, #tpu.memory_space<semaphore_mem>>
      %dma_start3A_129 = arith.constant 0 : i32
      %dma_start3A_130 = tpu.memref_slice %arg7[%rem3A_106, %dma_start3A_129] : memref<40x128xi32, #tpu.memory_space<vmem>> -> memref<1x128xi32, #tpu.memory_space<vmem>>
      %dma_start3A_131 = tpu.memref_squeeze %dma_start3A_130 : memref<1x128xi32, #tpu.memory_space<vmem>> -> memref<128xi32, #tpu.memory_space<vmem>>
      %dma_start3A_132 = arith.constant 0 : i32
      %dma_start3A_133 = arith.constant 0 : i32
      %dma_start3A_134 = tpu.memref_slice %arg11[%dma_start3A_132, %dma_start3A_133] : memref<10240x128xf32, #tpu.memory_space<vmem_shared>> -> memref<10240x128xf32, #tpu.memory_space<vmem_shared>>
      tpu.enqueue_indirect_dma source(%arg8 : memref<128x128xf32, #tpu.memory_space<vmem>>) target(%dma_start3A_134 : memref<10240x128xf32, #tpu.memory_space<vmem_shared>>) offsets(%dma_start3A_131 : memref<128xi32, #tpu.memory_space<vmem>>) semaphore(%run_scoped3A_128 : memref<!tpu.dma_semaphore, #tpu.memory_space<semaphore_mem>>) {add = true}
      %dma_wait3A_135 = arith.constant 0 : i32
      %dma_wait3A_136 = tpu.memref_slice %arg7[%rem3A_106, %dma_wait3A_135] : memref<40x128xi32, #tpu.memory_space<vmem>> -> memref<1x128xi32, #tpu.memory_space<vmem>>
      %dma_wait3A_137 = tpu.memref_squeeze %dma_wait3A_136 : memref<1x128xi32, #tpu.memory_space<vmem>> -> memref<128xi32, #tpu.memory_space<vmem>>
      %dma_wait3A_138 = arith.constant 0 : i32
      %dma_wait3A_139 = arith.constant 0 : i32
      %dma_wait3A_140 = tpu.memref_slice %arg11[%dma_wait3A_138, %dma_wait3A_139] : memref<10240x128xf32, #tpu.memory_space<vmem_shared>> -> memref<10240x128xf32, #tpu.memory_space<vmem_shared>>
      tpu.wait_indirect_dma semaphore(%run_scoped3A_128 : memref<!tpu.dma_semaphore, #tpu.memory_space<semaphore_mem>>) src(%arg8 : memref<128x128xf32, #tpu.memory_space<vmem>>) dst(%dma_wait3A_140 : memref<10240x128xf32, #tpu.memory_space<vmem_shared>>)
      tpu.yield
    }) : () -> ()
    %dma_wait3A_107 = arith.constant 79 : i32
    %dma_wait3A_108 = arith.constant 0 : i32
    %dma_wait3A_109 = tpu.memref_slice %arg6[%dma_wait3A_107, %dma_wait3A_108] : memref<80x128xi32, #tpu.memory_space<vmem>> -> memref<1x128xi32, #tpu.memory_space<vmem>>
    %dma_wait3A_110 = tpu.memref_squeeze %dma_wait3A_109 : memref<1x128xi32, #tpu.memory_space<vmem>> -> memref<128xi32, #tpu.memory_space<vmem>>
    %dma_wait3A_111 = arith.constant 0 : i32
    %dma_wait3A_112 = arith.constant 0 : i32
    %dma_wait3A_113 = tpu.memref_slice %arg2[%dma_wait3A_111, %dma_wait3A_112] : memref<10240x128xf32, #tpu.memory_space<hbm>> -> memref<10240x128xf32, #tpu.memory_space<hbm>>
    tpu.wait_indirect_dma semaphore(%arg13 : memref<!tpu.dma_semaphore, #tpu.memory_space<semaphore_mem>>) src(%dma_wait3A_113 : memref<10240x128xf32, #tpu.memory_space<hbm>>) dst(%arg9 : memref<128x128xf32, #tpu.memory_space<vmem>>)
    %rem3A_114 = arith.constant 79 : i32
    %rem3A_115 = arith.constant 40 : i32
    %rem3A_116 = arith.remsi %rem3A_114, %rem3A_115 : i32
    "tpu.region"() ({
      %run_scoped3A_128 = tpu.sem_alloc : memref<!tpu.dma_semaphore, #tpu.memory_space<semaphore_mem>>
      %dma_start3A_129 = arith.constant 0 : i32
      %dma_start3A_130 = tpu.memref_slice %arg7[%rem3A_116, %dma_start3A_129] : memref<40x128xi32, #tpu.memory_space<vmem>> -> memref<1x128xi32, #tpu.memory_space<vmem>>
      %dma_start3A_131 = tpu.memref_squeeze %dma_start3A_130 : memref<1x128xi32, #tpu.memory_space<vmem>> -> memref<128xi32, #tpu.memory_space<vmem>>
      %dma_start3A_132 = arith.constant 0 : i32
      %dma_start3A_133 = arith.constant 0 : i32
      %dma_start3A_134 = tpu.memref_slice %arg11[%dma_start3A_132, %dma_start3A_133] : memref<10240x128xf32, #tpu.memory_space<vmem_shared>> -> memref<10240x128xf32, #tpu.memory_space<vmem_shared>>
      tpu.enqueue_indirect_dma source(%arg9 : memref<128x128xf32, #tpu.memory_space<vmem>>) target(%dma_start3A_134 : memref<10240x128xf32, #tpu.memory_space<vmem_shared>>) offsets(%dma_start3A_131 : memref<128xi32, #tpu.memory_space<vmem>>) semaphore(%run_scoped3A_128 : memref<!tpu.dma_semaphore, #tpu.memory_space<semaphore_mem>>) {add = true}
      %dma_wait3A_135 = arith.constant 0 : i32
      %dma_wait3A_136 = tpu.memref_slice %arg7[%rem3A_116, %dma_wait3A_135] : memref<40x128xi32, #tpu.memory_space<vmem>> -> memref<1x128xi32, #tpu.memory_space<vmem>>
      %dma_wait3A_137 = tpu.memref_squeeze %dma_wait3A_136 : memref<1x128xi32, #tpu.memory_space<vmem>> -> memref<128xi32, #tpu.memory_space<vmem>>
      %dma_wait3A_138 = arith.constant 0 : i32
      %dma_wait3A_139 = arith.constant 0 : i32
      %dma_wait3A_140 = tpu.memref_slice %arg11[%dma_wait3A_138, %dma_wait3A_139] : memref<10240x128xf32, #tpu.memory_space<vmem_shared>> -> memref<10240x128xf32, #tpu.memory_space<vmem_shared>>
      tpu.wait_indirect_dma semaphore(%run_scoped3A_128 : memref<!tpu.dma_semaphore, #tpu.memory_space<semaphore_mem>>) src(%arg9 : memref<128x128xf32, #tpu.memory_space<vmem>>) dst(%dma_wait3A_140 : memref<10240x128xf32, #tpu.memory_space<vmem_shared>>)
      tpu.yield
    }) : () -> ()
    %barrier3A_117 = arith.constant 0 : index
    tpu.barrier barrier_id(%barrier3A_117)
    %scan3A_118 = arith.constant 0 : i32
    %scan3A_119 = arith.constant 5 : i32
    %scan3A_120 = arith.addi %scan3A_118, %scan3A_119 : i32
    %scan3A_121 = arith.constant 1 : i32
    scf.for %scan3A_128 = %scan3A_118 to %scan3A_120 step %scan3A_121  : i32 {
      %mul3A_129 = arith.constant 1 : i32
      %mul3A_130 = arith.muli %scan3A_128, %mul3A_129 : i32
      %add3A_131 = arith.constant 0 : i32
      %add3A_132 = arith.addi %add3A_131, %mul3A_130 : i32
      %mul3A_133 = arith.constant 128 : i32
      %mul3A_134 = arith.muli %add3A_132, %mul3A_133 : i32
      %add3A_135 = arith.addi %mul3A_2, %mul3A_134 : i32
      %dma_start3A_136 = arith.constant 0 : i32
      %dma_start3A_137 = tpu.memref_slice %arg5[%arg0, %add3A_135, %dma_start3A_136] : memref<2x10240x128xf32, #tpu.memory_space<hbm>> -> memref<1x128x128xf32, #tpu.memory_space<hbm>>
      %dma_start3A_138 = tpu.memref_squeeze %dma_start3A_137 : memref<1x128x128xf32, #tpu.memory_space<hbm>> -> memref<128x128xf32, #tpu.memory_space<hbm>>
      %dma_start3A_139 = arith.constant 0 : i32
      %dma_start3A_140 = tpu.memref_slice %arg11[%add3A_135, %dma_start3A_139] : memref<10240x128xf32, #tpu.memory_space<vmem_shared>> -> memref<128x128xf32, #tpu.memory_space<vmem_shared>>
      tpu.enqueue_dma source(%dma_start3A_140 : memref<128x128xf32, #tpu.memory_space<vmem_shared>>) target(%dma_start3A_138 : memref<128x128xf32, #tpu.memory_space<hbm>>) target_semaphore(%arg14 : memref<!tpu.dma_semaphore, #tpu.memory_space<semaphore_mem>>)
    }
    %scan3A_122 = arith.constant 5 : i32
    %scan3A_123 = arith.constant 0 : i32
    %scan3A_124 = arith.constant 5 : i32
    %scan3A_125 = arith.addi %scan3A_123, %scan3A_124 : i32
    %scan3A_126 = arith.constant 1 : i32
    scf.for %scan3A_128 = %scan3A_123 to %scan3A_125 step %scan3A_126  : i32 {
      %mul3A_129 = arith.constant 1 : i32
      %mul3A_130 = arith.muli %scan3A_128, %mul3A_129 : i32
      %add3A_131 = arith.constant 0 : i32
      %add3A_132 = arith.addi %add3A_131, %mul3A_130 : i32
      %mul3A_133 = arith.constant 128 : i32
      %mul3A_134 = arith.muli %add3A_132, %mul3A_133 : i32
      %add3A_135 = arith.addi %mul3A_2, %mul3A_134 : i32
      %dma_wait3A_136 = arith.constant 0 : i32
      %dma_wait3A_137 = tpu.memref_slice %arg5[%arg0, %add3A_135, %dma_wait3A_136] : memref<2x10240x128xf32, #tpu.memory_space<hbm>> -> memref<1x128x128xf32, #tpu.memory_space<hbm>>
      %dma_wait3A_138 = tpu.memref_squeeze %dma_wait3A_137 : memref<1x128x128xf32, #tpu.memory_space<hbm>> -> memref<128x128xf32, #tpu.memory_space<hbm>>
      %dma_wait3A_139 = arith.constant 0 : i32
      %dma_wait3A_140 = tpu.memref_slice %arg11[%add3A_135, %dma_wait3A_139] : memref<10240x128xf32, #tpu.memory_space<vmem_shared>> -> memref<128x128xf32, #tpu.memory_space<vmem_shared>>
      tpu.wait_dma2 semaphore(%arg14 : memref<!tpu.dma_semaphore, #tpu.memory_space<semaphore_mem>>) src(%dma_wait3A_140 : memref<128x128xf32, #tpu.memory_space<vmem_shared>>) dst(%dma_wait3A_138 : memref<128x128xf32, #tpu.memory_space<hbm>>)
    }
    %scan3A_127 = arith.constant 5 : i32
    return
  }
}

#map = affine_map<(d0, d1) -> (0, 0, 0)>
module attributes {stable_mosaic.version = 14 : i64} {
  func.func @deg(%arg0: i32, %arg1: i32, %arg2: memref<32x80x128xi32, #tpu.memory_space<hbm>>, %arg3: memref<32x80x128xi32, #tpu.memory_space<hbm>>, %arg4: memref<2x32x10240xf32, #tpu.memory_space<hbm>>, %arg5: memref<80x128xi32, #tpu.memory_space<vmem>>, %arg6: memref<80x128xi32, #tpu.memory_space<vmem>>, %arg7: memref<10240xf32, #tpu.memory_space<vmem>>, %arg8: memref<10240xf32, #tpu.memory_space<vmem>>) attributes {dimension_semantics = [#tpu.dimension_semantics<core_parallel>, #tpu.dimension_semantics<subcore_parallel>], iteration_bounds = array<i64: 2, 16>, scalar_prefetch = 0 : i64, scratch_operands = 4 : i64, tpu.core_type = #tpu.core_type<sc_vector_subcore>, window_params = [{transform_indices = #map}, {transform_indices = #map}, {transform_indices = #map}]} {
    %mul3A = arith.constant 16 : i32
    %mul3A_0 = arith.muli %arg0, %mul3A : i32
    %add3A = arith.addi %mul3A_0, %arg1 : i32
    "tpu.region"() ({
      %run_scoped3A_14 = tpu.sem_alloc : memref<!tpu.dma_semaphore, #tpu.memory_space<semaphore_mem>>
      %dma_start3A = arith.constant 0 : i32
      %dma_start3A_15 = arith.constant 0 : i32
      %dma_start3A_16 = tpu.memref_slice %arg2[%add3A, %dma_start3A, %dma_start3A_15] : memref<32x80x128xi32, #tpu.memory_space<hbm>> -> memref<1x80x128xi32, #tpu.memory_space<hbm>>
      %dma_start3A_17 = tpu.memref_squeeze %dma_start3A_16 : memref<1x80x128xi32, #tpu.memory_space<hbm>> -> memref<80x128xi32, #tpu.memory_space<hbm>>
      %dma_start3A_18 = arith.constant 0 : i32
      %dma_start3A_19 = arith.constant 0 : i32
      %dma_start3A_20 = tpu.memref_slice %arg2[%add3A, %dma_start3A_18, %dma_start3A_19] : memref<32x80x128xi32, #tpu.memory_space<hbm>> -> memref<1x80x128xi32, #tpu.memory_space<hbm>>
      %dma_start3A_21 = tpu.memref_squeeze %dma_start3A_20 : memref<1x80x128xi32, #tpu.memory_space<hbm>> -> memref<80x128xi32, #tpu.memory_space<hbm>>
      tpu.enqueue_dma source(%dma_start3A_21 : memref<80x128xi32, #tpu.memory_space<hbm>>) target(%arg5 : memref<80x128xi32, #tpu.memory_space<vmem>>) target_semaphore(%run_scoped3A_14 : memref<!tpu.dma_semaphore, #tpu.memory_space<semaphore_mem>>)
      %dma_wait3A = arith.constant 0 : i32
      %dma_wait3A_22 = arith.constant 0 : i32
      %dma_wait3A_23 = tpu.memref_slice %arg2[%add3A, %dma_wait3A, %dma_wait3A_22] : memref<32x80x128xi32, #tpu.memory_space<hbm>> -> memref<1x80x128xi32, #tpu.memory_space<hbm>>
      %dma_wait3A_24 = tpu.memref_squeeze %dma_wait3A_23 : memref<1x80x128xi32, #tpu.memory_space<hbm>> -> memref<80x128xi32, #tpu.memory_space<hbm>>
      %dma_wait3A_25 = arith.constant 0 : i32
      %dma_wait3A_26 = arith.constant 0 : i32
      %dma_wait3A_27 = tpu.memref_slice %arg2[%add3A, %dma_wait3A_25, %dma_wait3A_26] : memref<32x80x128xi32, #tpu.memory_space<hbm>> -> memref<1x80x128xi32, #tpu.memory_space<hbm>>
      %dma_wait3A_28 = tpu.memref_squeeze %dma_wait3A_27 : memref<1x80x128xi32, #tpu.memory_space<hbm>> -> memref<80x128xi32, #tpu.memory_space<hbm>>
      tpu.wait_dma2 semaphore(%run_scoped3A_14 : memref<!tpu.dma_semaphore, #tpu.memory_space<semaphore_mem>>) src(%dma_wait3A_28 : memref<80x128xi32, #tpu.memory_space<hbm>>) dst(%arg5 : memref<80x128xi32, #tpu.memory_space<vmem>>)
      tpu.yield
    }) : () -> ()
    "tpu.region"() ({
      %run_scoped3A_14 = tpu.sem_alloc : memref<!tpu.dma_semaphore, #tpu.memory_space<semaphore_mem>>
      %dma_start3A = arith.constant 0 : i32
      %dma_start3A_15 = arith.constant 0 : i32
      %dma_start3A_16 = tpu.memref_slice %arg3[%add3A, %dma_start3A, %dma_start3A_15] : memref<32x80x128xi32, #tpu.memory_space<hbm>> -> memref<1x80x128xi32, #tpu.memory_space<hbm>>
      %dma_start3A_17 = tpu.memref_squeeze %dma_start3A_16 : memref<1x80x128xi32, #tpu.memory_space<hbm>> -> memref<80x128xi32, #tpu.memory_space<hbm>>
      %dma_start3A_18 = arith.constant 0 : i32
      %dma_start3A_19 = arith.constant 0 : i32
      %dma_start3A_20 = tpu.memref_slice %arg3[%add3A, %dma_start3A_18, %dma_start3A_19] : memref<32x80x128xi32, #tpu.memory_space<hbm>> -> memref<1x80x128xi32, #tpu.memory_space<hbm>>
      %dma_start3A_21 = tpu.memref_squeeze %dma_start3A_20 : memref<1x80x128xi32, #tpu.memory_space<hbm>> -> memref<80x128xi32, #tpu.memory_space<hbm>>
      tpu.enqueue_dma source(%dma_start3A_21 : memref<80x128xi32, #tpu.memory_space<hbm>>) target(%arg6 : memref<80x128xi32, #tpu.memory_space<vmem>>) target_semaphore(%run_scoped3A_14 : memref<!tpu.dma_semaphore, #tpu.memory_space<semaphore_mem>>)
      %dma_wait3A = arith.constant 0 : i32
      %dma_wait3A_22 = arith.constant 0 : i32
      %dma_wait3A_23 = tpu.memref_slice %arg3[%add3A, %dma_wait3A, %dma_wait3A_22] : memref<32x80x128xi32, #tpu.memory_space<hbm>> -> memref<1x80x128xi32, #tpu.memory_space<hbm>>
      %dma_wait3A_24 = tpu.memref_squeeze %dma_wait3A_23 : memref<1x80x128xi32, #tpu.memory_space<hbm>> -> memref<80x128xi32, #tpu.memory_space<hbm>>
      %dma_wait3A_25 = arith.constant 0 : i32
      %dma_wait3A_26 = arith.constant 0 : i32
      %dma_wait3A_27 = tpu.memref_slice %arg3[%add3A, %dma_wait3A_25, %dma_wait3A_26] : memref<32x80x128xi32, #tpu.memory_space<hbm>> -> memref<1x80x128xi32, #tpu.memory_space<hbm>>
      %dma_wait3A_28 = tpu.memref_squeeze %dma_wait3A_27 : memref<1x80x128xi32, #tpu.memory_space<hbm>> -> memref<80x128xi32, #tpu.memory_space<hbm>>
      tpu.wait_dma2 semaphore(%run_scoped3A_14 : memref<!tpu.dma_semaphore, #tpu.memory_space<semaphore_mem>>) src(%dma_wait3A_28 : memref<80x128xi32, #tpu.memory_space<hbm>>) dst(%arg6 : memref<80x128xi32, #tpu.memory_space<vmem>>)
      tpu.yield
    }) : () -> ()
    %broadcast_in_dim3A = arith.constant 0.000000e+00 : f32
    %broadcast_in_dim3A_1 = vector.broadcast %broadcast_in_dim3A : f32 to vector<16xf32>
    %scan3A = arith.constant 0 : i32
    %scan3A_2 = arith.constant 640 : i32
    %scan3A_3 = arith.addi %scan3A, %scan3A_2 : i32
    %scan3A_4 = arith.constant 1 : i32
    scf.for %scan3A_14 = %scan3A to %scan3A_3 step %scan3A_4  : i32 {
      %mul3A_15 = arith.constant 1 : i32
      %mul3A_16 = arith.muli %scan3A_14, %mul3A_15 : i32
      %add3A_17 = arith.constant 0 : i32
      %add3A_18 = arith.addi %add3A_17, %mul3A_16 : i32
      %mul3A_19 = arith.constant 16 : i32
      %mul3A_20 = arith.muli %add3A_18, %mul3A_19 : i32
      %swap3A = arith.index_cast %mul3A_20 : i32 to index
      %swap3A_21 = tpu.vector_load %arg7[%swap3A] {strides = array<i32>} : memref<10240xf32, #tpu.memory_space<vmem>>, vector<16xf32>,
      tpu.vector_store %arg7[%swap3A], %broadcast_in_dim3A_1 {strides = array<i32>} : memref<10240xf32, #tpu.memory_space<vmem>>, vector<16xf32>,
      %mul3A_22 = arith.constant 16 : i32
      %mul3A_23 = arith.muli %add3A_18, %mul3A_22 : i32
      %swap3A_24 = arith.index_cast %mul3A_23 : i32 to index
      %swap3A_25 = tpu.vector_load %arg8[%swap3A_24] {strides = array<i32>} : memref<10240xf32, #tpu.memory_space<vmem>>, vector<16xf32>,
      tpu.vector_store %arg8[%swap3A_24], %broadcast_in_dim3A_1 {strides = array<i32>} : memref<10240xf32, #tpu.memory_space<vmem>>, vector<16xf32>,
    }
    %scan3A_5 = arith.constant 640 : i32
    %broadcast_in_dim3A_6 = arith.constant 1.000000e+00 : f32
    %broadcast_in_dim3A_7 = vector.broadcast %broadcast_in_dim3A_6 : f32 to vector<16xf32>
    %scan3A_8 = arith.constant 0 : i32
    %scan3A_9 = arith.constant 80 : i32
    %scan3A_10 = arith.addi %scan3A_8, %scan3A_9 : i32
    %scan3A_11 = arith.constant 1 : i32
    scf.for %scan3A_14 = %scan3A_8 to %scan3A_10 step %scan3A_11  : i32 {
      %mul3A_15 = arith.constant 1 : i32
      %mul3A_16 = arith.muli %scan3A_14, %mul3A_15 : i32
      %add3A_17 = arith.constant 0 : i32
      %add3A_18 = arith.addi %add3A_17, %mul3A_16 : i32
      %get3A = arith.index_cast %add3A_18 : i32 to index
      %get3A_19 = arith.constant 0 : index
      %get3A_20 = tpu.vector_load %arg5[%get3A, %get3A_19] {strides = array<i32>} : memref<80x128xi32, #tpu.memory_space<vmem>>, vector<16xi32>,
      %get3A_21 = arith.index_cast %add3A_18 : i32 to index
      %get3A_22 = arith.constant 0 : index
      %get3A_23 = tpu.vector_load %arg6[%get3A_21, %get3A_22] {strides = array<i32>} : memref<80x128xi32, #tpu.memory_space<vmem>>, vector<16xi32>,
      tpu.vector_store_idx %arg7[%get3A_20], %broadcast_in_dim3A_7 {add = true} : memref<10240xf32, #tpu.memory_space<vmem>>[vector<16xi32>], vector<16xf32>,
      tpu.vector_store_idx %arg8[%get3A_23], %broadcast_in_dim3A_7 {add = true} : memref<10240xf32, #tpu.memory_space<vmem>>[vector<16xi32>], vector<16xf32>,
      %get3A_24 = arith.index_cast %add3A_18 : i32 to index
      %get3A_25 = arith.constant 16 : index
      %get3A_26 = tpu.vector_load %arg5[%get3A_24, %get3A_25] {strides = array<i32>} : memref<80x128xi32, #tpu.memory_space<vmem>>, vector<16xi32>,
      %get3A_27 = arith.index_cast %add3A_18 : i32 to index
      %get3A_28 = arith.constant 16 : index
      %get3A_29 = tpu.vector_load %arg6[%get3A_27, %get3A_28] {strides = array<i32>} : memref<80x128xi32, #tpu.memory_space<vmem>>, vector<16xi32>,
      tpu.vector_store_idx %arg7[%get3A_26], %broadcast_in_dim3A_7 {add = true} : memref<10240xf32, #tpu.memory_space<vmem>>[vector<16xi32>], vector<16xf32>,
      tpu.vector_store_idx %arg8[%get3A_29], %broadcast_in_dim3A_7 {add = true} : memref<10240xf32, #tpu.memory_space<vmem>>[vector<16xi32>], vector<16xf32>,
      %get3A_30 = arith.index_cast %add3A_18 : i32 to index
      %get3A_31 = arith.constant 32 : index
      %get3A_32 = tpu.vector_load %arg5[%get3A_30, %get3A_31] {strides = array<i32>} : memref<80x128xi32, #tpu.memory_space<vmem>>, vector<16xi32>,
      %get3A_33 = arith.index_cast %add3A_18 : i32 to index
      %get3A_34 = arith.constant 32 : index
      %get3A_35 = tpu.vector_load %arg6[%get3A_33, %get3A_34] {strides = array<i32>} : memref<80x128xi32, #tpu.memory_space<vmem>>, vector<16xi32>,
      tpu.vector_store_idx %arg7[%get3A_32], %broadcast_in_dim3A_7 {add = true} : memref<10240xf32, #tpu.memory_space<vmem>>[vector<16xi32>], vector<16xf32>,
      tpu.vector_store_idx %arg8[%get3A_35], %broadcast_in_dim3A_7 {add = true} : memref<10240xf32, #tpu.memory_space<vmem>>[vector<16xi32>], vector<16xf32>,
      %get3A_36 = arith.index_cast %add3A_18 : i32 to index
      %get3A_37 = arith.constant 48 : index
      %get3A_38 = tpu.vector_load %arg5[%get3A_36, %get3A_37] {strides = array<i32>} : memref<80x128xi32, #tpu.memory_space<vmem>>, vector<16xi32>,
      %get3A_39 = arith.index_cast %add3A_18 : i32 to index
      %get3A_40 = arith.constant 48 : index
      %get3A_41 = tpu.vector_load %arg6[%get3A_39, %get3A_40] {strides = array<i32>} : memref<80x128xi32, #tpu.memory_space<vmem>>, vector<16xi32>,
      tpu.vector_store_idx %arg7[%get3A_38], %broadcast_in_dim3A_7 {add = true} : memref<10240xf32, #tpu.memory_space<vmem>>[vector<16xi32>], vector<16xf32>,
      tpu.vector_store_idx %arg8[%get3A_41], %broadcast_in_dim3A_7 {add = true} : memref<10240xf32, #tpu.memory_space<vmem>>[vector<16xi32>], vector<16xf32>,
      %get3A_42 = arith.index_cast %add3A_18 : i32 to index
      %get3A_43 = arith.constant 64 : index
      %get3A_44 = tpu.vector_load %arg5[%get3A_42, %get3A_43] {strides = array<i32>} : memref<80x128xi32, #tpu.memory_space<vmem>>, vector<16xi32>,
      %get3A_45 = arith.index_cast %add3A_18 : i32 to index
      %get3A_46 = arith.constant 64 : index
      %get3A_47 = tpu.vector_load %arg6[%get3A_45, %get3A_46] {strides = array<i32>} : memref<80x128xi32, #tpu.memory_space<vmem>>, vector<16xi32>,
      tpu.vector_store_idx %arg7[%get3A_44], %broadcast_in_dim3A_7 {add = true} : memref<10240xf32, #tpu.memory_space<vmem>>[vector<16xi32>], vector<16xf32>,
      tpu.vector_store_idx %arg8[%get3A_47], %broadcast_in_dim3A_7 {add = true} : memref<10240xf32, #tpu.memory_space<vmem>>[vector<16xi32>], vector<16xf32>,
      %get3A_48 = arith.index_cast %add3A_18 : i32 to index
      %get3A_49 = arith.constant 80 : index
      %get3A_50 = tpu.vector_load %arg5[%get3A_48, %get3A_49] {strides = array<i32>} : memref<80x128xi32, #tpu.memory_space<vmem>>, vector<16xi32>,
      %get3A_51 = arith.index_cast %add3A_18 : i32 to index
      %get3A_52 = arith.constant 80 : index
      %get3A_53 = tpu.vector_load %arg6[%get3A_51, %get3A_52] {strides = array<i32>} : memref<80x128xi32, #tpu.memory_space<vmem>>, vector<16xi32>,
      tpu.vector_store_idx %arg7[%get3A_50], %broadcast_in_dim3A_7 {add = true} : memref<10240xf32, #tpu.memory_space<vmem>>[vector<16xi32>], vector<16xf32>,
      tpu.vector_store_idx %arg8[%get3A_53], %broadcast_in_dim3A_7 {add = true} : memref<10240xf32, #tpu.memory_space<vmem>>[vector<16xi32>], vector<16xf32>,
      %get3A_54 = arith.index_cast %add3A_18 : i32 to index
      %get3A_55 = arith.constant 96 : index
      %get3A_56 = tpu.vector_load %arg5[%get3A_54, %get3A_55] {strides = array<i32>} : memref<80x128xi32, #tpu.memory_space<vmem>>, vector<16xi32>,
      %get3A_57 = arith.index_cast %add3A_18 : i32 to index
      %get3A_58 = arith.constant 96 : index
      %get3A_59 = tpu.vector_load %arg6[%get3A_57, %get3A_58] {strides = array<i32>} : memref<80x128xi32, #tpu.memory_space<vmem>>, vector<16xi32>,
      tpu.vector_store_idx %arg7[%get3A_56], %broadcast_in_dim3A_7 {add = true} : memref<10240xf32, #tpu.memory_space<vmem>>[vector<16xi32>], vector<16xf32>,
      tpu.vector_store_idx %arg8[%get3A_59], %broadcast_in_dim3A_7 {add = true} : memref<10240xf32, #tpu.memory_space<vmem>>[vector<16xi32>], vector<16xf32>,
      %get3A_60 = arith.index_cast %add3A_18 : i32 to index
      %get3A_61 = arith.constant 112 : index
      %get3A_62 = tpu.vector_load %arg5[%get3A_60, %get3A_61] {strides = array<i32>} : memref<80x128xi32, #tpu.memory_space<vmem>>, vector<16xi32>,
      %get3A_63 = arith.index_cast %add3A_18 : i32 to index
      %get3A_64 = arith.constant 112 : index
      %get3A_65 = tpu.vector_load %arg6[%get3A_63, %get3A_64] {strides = array<i32>} : memref<80x128xi32, #tpu.memory_space<vmem>>, vector<16xi32>,
      tpu.vector_store_idx %arg7[%get3A_62], %broadcast_in_dim3A_7 {add = true} : memref<10240xf32, #tpu.memory_space<vmem>>[vector<16xi32>], vector<16xf32>,
      tpu.vector_store_idx %arg8[%get3A_65], %broadcast_in_dim3A_7 {add = true} : memref<10240xf32, #tpu.memory_space<vmem>>[vector<16xi32>], vector<16xf32>,
    }
    %scan3A_12 = arith.constant 80 : i32
    %run_scoped3A = arith.constant 0 : i32
    "tpu.region"() ({
      %run_scoped3A_14 = tpu.sem_alloc : memref<!tpu.dma_semaphore, #tpu.memory_space<semaphore_mem>>
      %dma_start3A = arith.constant 0 : i32
      %dma_start3A_15 = tpu.memref_slice %arg4[%run_scoped3A, %add3A, %dma_start3A] : memref<2x32x10240xf32, #tpu.memory_space<hbm>> -> memref<1x1x10240xf32, #tpu.memory_space<hbm>>
      %dma_start3A_16 = tpu.memref_squeeze %dma_start3A_15 : memref<1x1x10240xf32, #tpu.memory_space<hbm>> -> memref<10240xf32, #tpu.memory_space<hbm>>
      %dma_start3A_17 = arith.constant 0 : i32
      %dma_start3A_18 = tpu.memref_slice %arg4[%run_scoped3A, %add3A, %dma_start3A_17] : memref<2x32x10240xf32, #tpu.memory_space<hbm>> -> memref<1x1x10240xf32, #tpu.memory_space<hbm>>
      %dma_start3A_19 = tpu.memref_squeeze %dma_start3A_18 : memref<1x1x10240xf32, #tpu.memory_space<hbm>> -> memref<10240xf32, #tpu.memory_space<hbm>>
      tpu.enqueue_dma source(%arg7 : memref<10240xf32, #tpu.memory_space<vmem>>) target(%dma_start3A_19 : memref<10240xf32, #tpu.memory_space<hbm>>) target_semaphore(%run_scoped3A_14 : memref<!tpu.dma_semaphore, #tpu.memory_space<semaphore_mem>>)
      %dma_wait3A = arith.constant 0 : i32
      %dma_wait3A_20 = tpu.memref_slice %arg4[%run_scoped3A, %add3A, %dma_wait3A] : memref<2x32x10240xf32, #tpu.memory_space<hbm>> -> memref<1x1x10240xf32, #tpu.memory_space<hbm>>
      %dma_wait3A_21 = tpu.memref_squeeze %dma_wait3A_20 : memref<1x1x10240xf32, #tpu.memory_space<hbm>> -> memref<10240xf32, #tpu.memory_space<hbm>>
      %dma_wait3A_22 = arith.constant 0 : i32
      %dma_wait3A_23 = tpu.memref_slice %arg4[%run_scoped3A, %add3A, %dma_wait3A_22] : memref<2x32x10240xf32, #tpu.memory_space<hbm>> -> memref<1x1x10240xf32, #tpu.memory_space<hbm>>
      %dma_wait3A_24 = tpu.memref_squeeze %dma_wait3A_23 : memref<1x1x10240xf32, #tpu.memory_space<hbm>> -> memref<10240xf32, #tpu.memory_space<hbm>>
      tpu.wait_dma2 semaphore(%run_scoped3A_14 : memref<!tpu.dma_semaphore, #tpu.memory_space<semaphore_mem>>) src(%arg7 : memref<10240xf32, #tpu.memory_space<vmem>>) dst(%dma_wait3A_24 : memref<10240xf32, #tpu.memory_space<hbm>>)
      tpu.yield
    }) : () -> ()
    %run_scoped3A_13 = arith.constant 1 : i32
    "tpu.region"() ({
      %run_scoped3A_14 = tpu.sem_alloc : memref<!tpu.dma_semaphore, #tpu.memory_space<semaphore_mem>>
      %dma_start3A = arith.constant 0 : i32
      %dma_start3A_15 = tpu.memref_slice %arg4[%run_scoped3A_13, %add3A, %dma_start3A] : memref<2x32x10240xf32, #tpu.memory_space<hbm>> -> memref<1x1x10240xf32, #tpu.memory_space<hbm>>
      %dma_start3A_16 = tpu.memref_squeeze %dma_start3A_15 : memref<1x1x10240xf32, #tpu.memory_space<hbm>> -> memref<10240xf32, #tpu.memory_space<hbm>>
      %dma_start3A_17 = arith.constant 0 : i32
      %dma_start3A_18 = tpu.memref_slice %arg4[%run_scoped3A_13, %add3A, %dma_start3A_17] : memref<2x32x10240xf32, #tpu.memory_space<hbm>> -> memref<1x1x10240xf32, #tpu.memory_space<hbm>>
      %dma_start3A_19 = tpu.memref_squeeze %dma_start3A_18 : memref<1x1x10240xf32, #tpu.memory_space<hbm>> -> memref<10240xf32, #tpu.memory_space<hbm>>
      tpu.enqueue_dma source(%arg8 : memref<10240xf32, #tpu.memory_space<vmem>>) target(%dma_start3A_19 : memref<10240xf32, #tpu.memory_space<hbm>>) target_semaphore(%run_scoped3A_14 : memref<!tpu.dma_semaphore, #tpu.memory_space<semaphore_mem>>)
      %dma_wait3A = arith.constant 0 : i32
      %dma_wait3A_20 = tpu.memref_slice %arg4[%run_scoped3A_13, %add3A, %dma_wait3A] : memref<2x32x10240xf32, #tpu.memory_space<hbm>> -> memref<1x1x10240xf32, #tpu.memory_space<hbm>>
      %dma_wait3A_21 = tpu.memref_squeeze %dma_wait3A_20 : memref<1x1x10240xf32, #tpu.memory_space<hbm>> -> memref<10240xf32, #tpu.memory_space<hbm>>
      %dma_wait3A_22 = arith.constant 0 : i32
      %dma_wait3A_23 = tpu.memref_slice %arg4[%run_scoped3A_13, %add3A, %dma_wait3A_22] : memref<2x32x10240xf32, #tpu.memory_space<hbm>> -> memref<1x1x10240xf32, #tpu.memory_space<hbm>>
      %dma_wait3A_24 = tpu.memref_squeeze %dma_wait3A_23 : memref<1x1x10240xf32, #tpu.memory_space<hbm>> -> memref<10240xf32, #tpu.memory_space<hbm>>
      tpu.wait_dma2 semaphore(%run_scoped3A_14 : memref<!tpu.dma_semaphore, #tpu.memory_space<semaphore_mem>>) src(%arg8 : memref<10240xf32, #tpu.memory_space<vmem>>) dst(%dma_wait3A_24 : memref<10240xf32, #tpu.memory_space<hbm>>)
      tpu.yield
    }) : () -> ()
    return
  }
}

#map = affine_map<(d0, d1) -> (0, 0)>
#map1 = affine_map<(d0, d1) -> (0, 0, 0)>
module attributes {stable_mosaic.version = 14 : i64} {
  func.func @agg(%arg0: i32, %arg1: i32, %arg2: memref<10240x128xf32, #tpu.memory_space<hbm>>, %arg3: memref<32x80x128xi32, #tpu.memory_space<hbm>>, %arg4: memref<32x80x128xi32, #tpu.memory_space<hbm>>, %arg5: memref<2x10240x128xf32, #tpu.memory_space<hbm>>, %arg6: memref<80x128xi32, #tpu.memory_space<vmem>>, %arg7: memref<40x128xi32, #tpu.memory_space<vmem>>, %arg8: memref<128x128xf32, #tpu.memory_space<vmem>>, %arg9: memref<128x128xf32, #tpu.memory_space<vmem>>, %arg10: memref<1x128xi32, #tpu.memory_space<vmem>>, %arg11: memref<10240x128xf32, #tpu.memory_space<vmem_shared>>, %arg12: memref<!tpu.dma_semaphore, #tpu.memory_space<semaphore_mem>>, %arg13: memref<!tpu.dma_semaphore, #tpu.memory_space<semaphore_mem>>, %arg14: memref<!tpu.dma_semaphore, #tpu.memory_space<semaphore_mem>>) attributes {dimension_semantics = [#tpu.dimension_semantics<core_parallel>, #tpu.dimension_semantics<subcore_parallel>], iteration_bounds = array<i64: 2, 16>, scalar_prefetch = 0 : i64, scratch_operands = 9 : i64, tpu.core_type = #tpu.core_type<sc_vector_subcore>, window_params = [{transform_indices = #map}, {transform_indices = #map1}, {transform_indices = #map1}, {transform_indices = #map1}]} {
    %mul3A = arith.constant 16 : i32
    %mul3A_0 = arith.muli %arg0, %mul3A : i32
    %add3A = arith.addi %mul3A_0, %arg1 : i32
    "tpu.region"() ({
      %run_scoped3A_128 = tpu.sem_alloc : memref<!tpu.dma_semaphore, #tpu.memory_space<semaphore_mem>>
      %dma_start3A_129 = arith.constant 0 : i32
      %dma_start3A_130 = arith.constant 0 : i32
      %dma_start3A_131 = tpu.memref_slice %arg3[%add3A, %dma_start3A_129, %dma_start3A_130] : memref<32x80x128xi32, #tpu.memory_space<hbm>> -> memref<1x80x128xi32, #tpu.memory_space<hbm>>
      %dma_start3A_132 = tpu.memref_squeeze %dma_start3A_131 : memref<1x80x128xi32, #tpu.memory_space<hbm>> -> memref<80x128xi32, #tpu.memory_space<hbm>>
      %dma_start3A_133 = arith.constant 0 : i32
      %dma_start3A_134 = arith.constant 0 : i32
      %dma_start3A_135 = tpu.memref_slice %arg3[%add3A, %dma_start3A_133, %dma_start3A_134] : memref<32x80x128xi32, #tpu.memory_space<hbm>> -> memref<1x80x128xi32, #tpu.memory_space<hbm>>
      %dma_start3A_136 = tpu.memref_squeeze %dma_start3A_135 : memref<1x80x128xi32, #tpu.memory_space<hbm>> -> memref<80x128xi32, #tpu.memory_space<hbm>>
      tpu.enqueue_dma source(%dma_start3A_136 : memref<80x128xi32, #tpu.memory_space<hbm>>) target(%arg6 : memref<80x128xi32, #tpu.memory_space<vmem>>) target_semaphore(%run_scoped3A_128 : memref<!tpu.dma_semaphore, #tpu.memory_space<semaphore_mem>>)
      %dma_wait3A_137 = arith.constant 0 : i32
      %dma_wait3A_138 = arith.constant 0 : i32
      %dma_wait3A_139 = tpu.memref_slice %arg3[%add3A, %dma_wait3A_137, %dma_wait3A_138] : memref<32x80x128xi32, #tpu.memory_space<hbm>> -> memref<1x80x128xi32, #tpu.memory_space<hbm>>
      %dma_wait3A_140 = tpu.memref_squeeze %dma_wait3A_139 : memref<1x80x128xi32, #tpu.memory_space<hbm>> -> memref<80x128xi32, #tpu.memory_space<hbm>>
      %dma_wait3A_141 = arith.constant 0 : i32
      %dma_wait3A_142 = arith.constant 0 : i32
      %dma_wait3A_143 = tpu.memref_slice %arg3[%add3A, %dma_wait3A_141, %dma_wait3A_142] : memref<32x80x128xi32, #tpu.memory_space<hbm>> -> memref<1x80x128xi32, #tpu.memory_space<hbm>>
      %dma_wait3A_144 = tpu.memref_squeeze %dma_wait3A_143 : memref<1x80x128xi32, #tpu.memory_space<hbm>> -> memref<80x128xi32, #tpu.memory_space<hbm>>
      tpu.wait_dma2 semaphore(%run_scoped3A_128 : memref<!tpu.dma_semaphore, #tpu.memory_space<semaphore_mem>>) src(%dma_wait3A_144 : memref<80x128xi32, #tpu.memory_space<hbm>>) dst(%arg6 : memref<80x128xi32, #tpu.memory_space<vmem>>)
      tpu.yield
    }) : () -> ()
    %mul3A_1 = arith.constant 640 : i32
    %mul3A_2 = arith.muli %arg1, %mul3A_1 : i32
    %dma_start3A = arith.constant 0 : i32
    %dma_start3A_3 = arith.constant 0 : i32
    %dma_start3A_4 = tpu.memref_slice %arg6[%dma_start3A, %dma_start3A_3] : memref<80x128xi32, #tpu.memory_space<vmem>> -> memref<1x128xi32, #tpu.memory_space<vmem>>
    %dma_start3A_5 = tpu.memref_squeeze %dma_start3A_4 : memref<1x128xi32, #tpu.memory_space<vmem>> -> memref<128xi32, #tpu.memory_space<vmem>>
    %dma_start3A_6 = arith.constant 0 : i32
    %dma_start3A_7 = arith.constant 0 : i32
    %dma_start3A_8 = tpu.memref_slice %arg2[%dma_start3A_6, %dma_start3A_7] : memref<10240x128xf32, #tpu.memory_space<hbm>> -> memref<10240x128xf32, #tpu.memory_space<hbm>>
    tpu.enqueue_indirect_dma source(%dma_start3A_8 : memref<10240x128xf32, #tpu.memory_space<hbm>>) target(%arg8 : memref<128x128xf32, #tpu.memory_space<vmem>>) offsets(%dma_start3A_5 : memref<128xi32, #tpu.memory_space<vmem>>) semaphore(%arg12 : memref<!tpu.dma_semaphore, #tpu.memory_space<semaphore_mem>>)
    "tpu.region"() ({
      %run_scoped3A_128 = tpu.sem_alloc : memref<!tpu.dma_semaphore, #tpu.memory_space<semaphore_mem>>
      %dma_start3A_129 = arith.constant 0 : i32
      %dma_start3A_130 = arith.constant 0 : i32
      %dma_start3A_131 = tpu.memref_slice %arg4[%add3A, %dma_start3A_129, %dma_start3A_130] : memref<32x80x128xi32, #tpu.memory_space<hbm>> -> memref<1x40x128xi32, #tpu.memory_space<hbm>>
      %dma_start3A_132 = tpu.memref_squeeze %dma_start3A_131 : memref<1x40x128xi32, #tpu.memory_space<hbm>> -> memref<40x128xi32, #tpu.memory_space<hbm>>
      %dma_start3A_133 = arith.constant 0 : i32
      %dma_start3A_134 = arith.constant 0 : i32
      %dma_start3A_135 = tpu.memref_slice %arg4[%add3A, %dma_start3A_133, %dma_start3A_134] : memref<32x80x128xi32, #tpu.memory_space<hbm>> -> memref<1x40x128xi32, #tpu.memory_space<hbm>>
      %dma_start3A_136 = tpu.memref_squeeze %dma_start3A_135 : memref<1x40x128xi32, #tpu.memory_space<hbm>> -> memref<40x128xi32, #tpu.memory_space<hbm>>
      tpu.enqueue_dma source(%dma_start3A_136 : memref<40x128xi32, #tpu.memory_space<hbm>>) target(%arg7 : memref<40x128xi32, #tpu.memory_space<vmem>>) target_semaphore(%run_scoped3A_128 : memref<!tpu.dma_semaphore, #tpu.memory_space<semaphore_mem>>)
      %dma_wait3A_137 = arith.constant 0 : i32
      %dma_wait3A_138 = arith.constant 0 : i32
      %dma_wait3A_139 = tpu.memref_slice %arg4[%add3A, %dma_wait3A_137, %dma_wait3A_138] : memref<32x80x128xi32, #tpu.memory_space<hbm>> -> memref<1x40x128xi32, #tpu.memory_space<hbm>>
      %dma_wait3A_140 = tpu.memref_squeeze %dma_wait3A_139 : memref<1x40x128xi32, #tpu.memory_space<hbm>> -> memref<40x128xi32, #tpu.memory_space<hbm>>
      %dma_wait3A_141 = arith.constant 0 : i32
      %dma_wait3A_142 = arith.constant 0 : i32
      %dma_wait3A_143 = tpu.memref_slice %arg4[%add3A, %dma_wait3A_141, %dma_wait3A_142] : memref<32x80x128xi32, #tpu.memory_space<hbm>> -> memref<1x40x128xi32, #tpu.memory_space<hbm>>
      %dma_wait3A_144 = tpu.memref_squeeze %dma_wait3A_143 : memref<1x40x128xi32, #tpu.memory_space<hbm>> -> memref<40x128xi32, #tpu.memory_space<hbm>>
      tpu.wait_dma2 semaphore(%run_scoped3A_128 : memref<!tpu.dma_semaphore, #tpu.memory_space<semaphore_mem>>) src(%dma_wait3A_144 : memref<40x128xi32, #tpu.memory_space<hbm>>) dst(%arg7 : memref<40x128xi32, #tpu.memory_space<vmem>>)
      tpu.yield
    }) : () -> ()
    %mul3A_9 = arith.constant 7 : i32
    %mul3A_10 = arith.muli %arg1, %mul3A_9 : i32
    %add3A_11 = arith.constant 10000 : i32
    %add3A_12 = arith.addi %add3A_11, %mul3A_10 : i32
    %add3A_13 = arith.constant 0 : i32
    %add3A_14 = arith.addi %add3A_12, %add3A_13 : i32
    %iota3A = tpu.iota {dimensions = array<i32: 0>} : vector<16xi32>
    %add3A_15 = vector.broadcast %add3A_14 : i32 to vector<16xi32>
    %add3A_16 = arith.addi %add3A_15, %iota3A : vector<16xi32>
    %swap3A = arith.constant 0 : i32
    %swap3A_17 = arith.index_cast %swap3A : i32 to index
    %swap3A_18 = arith.constant 0 : index
    %swap3A_19 = tpu.vector_load %arg10[%swap3A_17, %swap3A_18] {strides = array<i32>} : memref<1x128xi32, #tpu.memory_space<vmem>>, vector<16xi32>,
    tpu.vector_store %arg10[%swap3A_17, %swap3A_18], %add3A_16 {strides = array<i32>} : memref<1x128xi32, #tpu.memory_space<vmem>>, vector<16xi32>,
    %add3A_20 = arith.constant 16 : i32
    %add3A_21 = arith.addi %add3A_12, %add3A_20 : i32
    %iota3A_22 = tpu.iota {dimensions = array<i32: 0>} : vector<16xi32>
    %add3A_23 = vector.broadcast %add3A_21 : i32 to vector<16xi32>
    %add3A_24 = arith.addi %add3A_23, %iota3A_22 : vector<16xi32>
    %swap3A_25 = arith.constant 0 : i32
    %swap3A_26 = arith.index_cast %swap3A_25 : i32 to index
    %swap3A_27 = arith.constant 16 : index
    %swap3A_28 = tpu.vector_load %arg10[%swap3A_26, %swap3A_27] {strides = array<i32>} : memref<1x128xi32, #tpu.memory_space<vmem>>, vector<16xi32>,
    tpu.vector_store %arg10[%swap3A_26, %swap3A_27], %add3A_24 {strides = array<i32>} : memref<1x128xi32, #tpu.memory_space<vmem>>, vector<16xi32>,
    %add3A_29 = arith.constant 32 : i32
    %add3A_30 = arith.addi %add3A_12, %add3A_29 : i32
    %iota3A_31 = tpu.iota {dimensions = array<i32: 0>} : vector<16xi32>
    %add3A_32 = vector.broadcast %add3A_30 : i32 to vector<16xi32>
    %add3A_33 = arith.addi %add3A_32, %iota3A_31 : vector<16xi32>
    %swap3A_34 = arith.constant 0 : i32
    %swap3A_35 = arith.index_cast %swap3A_34 : i32 to index
    %swap3A_36 = arith.constant 32 : index
    %swap3A_37 = tpu.vector_load %arg10[%swap3A_35, %swap3A_36] {strides = array<i32>} : memref<1x128xi32, #tpu.memory_space<vmem>>, vector<16xi32>,
    tpu.vector_store %arg10[%swap3A_35, %swap3A_36], %add3A_33 {strides = array<i32>} : memref<1x128xi32, #tpu.memory_space<vmem>>, vector<16xi32>,
    %add3A_38 = arith.constant 48 : i32
    %add3A_39 = arith.addi %add3A_12, %add3A_38 : i32
    %iota3A_40 = tpu.iota {dimensions = array<i32: 0>} : vector<16xi32>
    %add3A_41 = vector.broadcast %add3A_39 : i32 to vector<16xi32>
    %add3A_42 = arith.addi %add3A_41, %iota3A_40 : vector<16xi32>
    %swap3A_43 = arith.constant 0 : i32
    %swap3A_44 = arith.index_cast %swap3A_43 : i32 to index
    %swap3A_45 = arith.constant 48 : index
    %swap3A_46 = tpu.vector_load %arg10[%swap3A_44, %swap3A_45] {strides = array<i32>} : memref<1x128xi32, #tpu.memory_space<vmem>>, vector<16xi32>,
    tpu.vector_store %arg10[%swap3A_44, %swap3A_45], %add3A_42 {strides = array<i32>} : memref<1x128xi32, #tpu.memory_space<vmem>>, vector<16xi32>,
    %add3A_47 = arith.constant 64 : i32
    %add3A_48 = arith.addi %add3A_12, %add3A_47 : i32
    %iota3A_49 = tpu.iota {dimensions = array<i32: 0>} : vector<16xi32>
    %add3A_50 = vector.broadcast %add3A_48 : i32 to vector<16xi32>
    %add3A_51 = arith.addi %add3A_50, %iota3A_49 : vector<16xi32>
    %swap3A_52 = arith.constant 0 : i32
    %swap3A_53 = arith.index_cast %swap3A_52 : i32 to index
    %swap3A_54 = arith.constant 64 : index
    %swap3A_55 = tpu.vector_load %arg10[%swap3A_53, %swap3A_54] {strides = array<i32>} : memref<1x128xi32, #tpu.memory_space<vmem>>, vector<16xi32>,
    tpu.vector_store %arg10[%swap3A_53, %swap3A_54], %add3A_51 {strides = array<i32>} : memref<1x128xi32, #tpu.memory_space<vmem>>, vector<16xi32>,
    %add3A_56 = arith.constant 80 : i32
    %add3A_57 = arith.addi %add3A_12, %add3A_56 : i32
    %iota3A_58 = tpu.iota {dimensions = array<i32: 0>} : vector<16xi32>
    %add3A_59 = vector.broadcast %add3A_57 : i32 to vector<16xi32>
    %add3A_60 = arith.addi %add3A_59, %iota3A_58 : vector<16xi32>
    %swap3A_61 = arith.constant 0 : i32
    %swap3A_62 = arith.index_cast %swap3A_61 : i32 to index
    %swap3A_63 = arith.constant 80 : index
    %swap3A_64 = tpu.vector_load %arg10[%swap3A_62, %swap3A_63] {strides = array<i32>} : memref<1x128xi32, #tpu.memory_space<vmem>>, vector<16xi32>,
    tpu.vector_store %arg10[%swap3A_62, %swap3A_63], %add3A_60 {strides = array<i32>} : memref<1x128xi32, #tpu.memory_space<vmem>>, vector<16xi32>,
    %add3A_65 = arith.constant 96 : i32
    %add3A_66 = arith.addi %add3A_12, %add3A_65 : i32
    %iota3A_67 = tpu.iota {dimensions = array<i32: 0>} : vector<16xi32>
    %add3A_68 = vector.broadcast %add3A_66 : i32 to vector<16xi32>
    %add3A_69 = arith.addi %add3A_68, %iota3A_67 : vector<16xi32>
    %swap3A_70 = arith.constant 0 : i32
    %swap3A_71 = arith.index_cast %swap3A_70 : i32 to index
    %swap3A_72 = arith.constant 96 : index
    %swap3A_73 = tpu.vector_load %arg10[%swap3A_71, %swap3A_72] {strides = array<i32>} : memref<1x128xi32, #tpu.memory_space<vmem>>, vector<16xi32>,
    tpu.vector_store %arg10[%swap3A_71, %swap3A_72], %add3A_69 {strides = array<i32>} : memref<1x128xi32, #tpu.memory_space<vmem>>, vector<16xi32>,
    %add3A_74 = arith.constant 112 : i32
    %add3A_75 = arith.addi %add3A_12, %add3A_74 : i32
    %iota3A_76 = tpu.iota {dimensions = array<i32: 0>} : vector<16xi32>
    %add3A_77 = vector.broadcast %add3A_75 : i32 to vector<16xi32>
    %add3A_78 = arith.addi %add3A_77, %iota3A_76 : vector<16xi32>
    %swap3A_79 = arith.constant 0 : i32
    %swap3A_80 = arith.index_cast %swap3A_79 : i32 to index
    %swap3A_81 = arith.constant 112 : index
    %swap3A_82 = tpu.vector_load %arg10[%swap3A_80, %swap3A_81] {strides = array<i32>} : memref<1x128xi32, #tpu.memory_space<vmem>>, vector<16xi32>,
    tpu.vector_store %arg10[%swap3A_80, %swap3A_81], %add3A_78 {strides = array<i32>} : memref<1x128xi32, #tpu.memory_space<vmem>>, vector<16xi32>,
    %run_scoped3A = arith.constant 0 : i32
    "tpu.region"() ({
      %run_scoped3A_128 = tpu.sem_alloc : memref<!tpu.dma_semaphore, #tpu.memory_space<semaphore_mem>>
      %dma_start3A_129 = arith.constant 0 : i32
      %dma_start3A_130 = tpu.memref_slice %arg10[%run_scoped3A, %dma_start3A_129] : memref<1x128xi32, #tpu.memory_space<vmem>> -> memref<1x128xi32, #tpu.memory_space<vmem>>
      %dma_start3A_131 = tpu.memref_squeeze %dma_start3A_130 : memref<1x128xi32, #tpu.memory_space<vmem>> -> memref<128xi32, #tpu.memory_space<vmem>>
      %dma_start3A_132 = arith.constant 0 : i32
      %dma_start3A_133 = arith.constant 0 : i32
      %dma_start3A_134 = tpu.memref_slice %arg2[%dma_start3A_132, %dma_start3A_133] : memref<10240x128xf32, #tpu.memory_space<hbm>> -> memref<10240x128xf32, #tpu.memory_space<hbm>>
      tpu.enqueue_indirect_dma source(%dma_start3A_134 : memref<10240x128xf32, #tpu.memory_space<hbm>>) target(%arg9 : memref<128x128xf32, #tpu.memory_space<vmem>>) offsets(%dma_start3A_131 : memref<128xi32, #tpu.memory_space<vmem>>) semaphore(%run_scoped3A_128 : memref<!tpu.dma_semaphore, #tpu.memory_space<semaphore_mem>>)
      %dma_wait3A_135 = arith.constant 0 : i32
      %dma_wait3A_136 = tpu.memref_slice %arg10[%run_scoped3A, %dma_wait3A_135] : memref<1x128xi32, #tpu.memory_space<vmem>> -> memref<1x128xi32, #tpu.memory_space<vmem>>
      %dma_wait3A_137 = tpu.memref_squeeze %dma_wait3A_136 : memref<1x128xi32, #tpu.memory_space<vmem>> -> memref<128xi32, #tpu.memory_space<vmem>>
      %dma_wait3A_138 = arith.constant 0 : i32
      %dma_wait3A_139 = arith.constant 0 : i32
      %dma_wait3A_140 = tpu.memref_slice %arg2[%dma_wait3A_138, %dma_wait3A_139] : memref<10240x128xf32, #tpu.memory_space<hbm>> -> memref<10240x128xf32, #tpu.memory_space<hbm>>
      tpu.wait_indirect_dma semaphore(%run_scoped3A_128 : memref<!tpu.dma_semaphore, #tpu.memory_space<semaphore_mem>>) src(%dma_wait3A_140 : memref<10240x128xf32, #tpu.memory_space<hbm>>) dst(%arg9 : memref<128x128xf32, #tpu.memory_space<vmem>>)
      tpu.yield
    }) : () -> ()
    %scan3A = arith.constant 0 : i32
    %scan3A_83 = arith.constant 5 : i32
    %scan3A_84 = arith.addi %scan3A, %scan3A_83 : i32
    %scan3A_85 = arith.constant 1 : i32
    scf.for %scan3A_128 = %scan3A to %scan3A_84 step %scan3A_85  : i32 {
      %mul3A_129 = arith.constant 1 : i32
      %mul3A_130 = arith.muli %scan3A_128, %mul3A_129 : i32
      %add3A_131 = arith.constant 0 : i32
      %add3A_132 = arith.addi %add3A_131, %mul3A_130 : i32
      %mul3A_133 = arith.constant 128 : i32
      %mul3A_134 = arith.muli %add3A_132, %mul3A_133 : i32
      %add3A_135 = arith.addi %mul3A_2, %mul3A_134 : i32
      "tpu.region"() ({
        %run_scoped3A_136 = tpu.sem_alloc : memref<!tpu.dma_semaphore, #tpu.memory_space<semaphore_mem>>
        %dma_start3A_137 = arith.constant 0 : i32
        %dma_start3A_138 = tpu.memref_slice %arg11[%add3A_135, %dma_start3A_137] : memref<10240x128xf32, #tpu.memory_space<vmem_shared>> -> memref<128x128xf32, #tpu.memory_space<vmem_shared>>
        %dma_start3A_139 = arith.constant 0 : i32
        %dma_start3A_140 = tpu.memref_slice %arg11[%add3A_135, %dma_start3A_139] : memref<10240x128xf32, #tpu.memory_space<vmem_shared>> -> memref<128x128xf32, #tpu.memory_space<vmem_shared>>
        tpu.enqueue_dma source(%arg9 : memref<128x128xf32, #tpu.memory_space<vmem>>) target(%dma_start3A_140 : memref<128x128xf32, #tpu.memory_space<vmem_shared>>) target_semaphore(%run_scoped3A_136 : memref<!tpu.dma_semaphore, #tpu.memory_space<semaphore_mem>>)
        %dma_wait3A_141 = arith.constant 0 : i32
        %dma_wait3A_142 = tpu.memref_slice %arg11[%add3A_135, %dma_wait3A_141] : memref<10240x128xf32, #tpu.memory_space<vmem_shared>> -> memref<128x128xf32, #tpu.memory_space<vmem_shared>>
        %dma_wait3A_143 = arith.constant 0 : i32
        %dma_wait3A_144 = tpu.memref_slice %arg11[%add3A_135, %dma_wait3A_143] : memref<10240x128xf32, #tpu.memory_space<vmem_shared>> -> memref<128x128xf32, #tpu.memory_space<vmem_shared>>
        tpu.wait_dma2 semaphore(%run_scoped3A_136 : memref<!tpu.dma_semaphore, #tpu.memory_space<semaphore_mem>>) src(%arg9 : memref<128x128xf32, #tpu.memory_space<vmem>>) dst(%dma_wait3A_144 : memref<128x128xf32, #tpu.memory_space<vmem_shared>>)
        tpu.yield
      }) : () -> ()
    }
    %scan3A_86 = arith.constant 5 : i32
    %barrier3A = arith.constant 0 : index
    tpu.barrier barrier_id(%barrier3A)
    %dma_start3A_87 = arith.constant 1 : i32
    %dma_start3A_88 = arith.constant 0 : i32
    %dma_start3A_89 = tpu.memref_slice %arg6[%dma_start3A_87, %dma_start3A_88] : memref<80x128xi32, #tpu.memory_space<vmem>> -> memref<1x128xi32, #tpu.memory_space<vmem>>
    %dma_start3A_90 = tpu.memref_squeeze %dma_start3A_89 : memref<1x128xi32, #tpu.memory_space<vmem>> -> memref<128xi32, #tpu.memory_space<vmem>>
    %dma_start3A_91 = arith.constant 0 : i32
    %dma_start3A_92 = arith.constant 0 : i32
    %dma_start3A_93 = tpu.memref_slice %arg2[%dma_start3A_91, %dma_start3A_92] : memref<10240x128xf32, #tpu.memory_space<hbm>> -> memref<10240x128xf32, #tpu.memory_space<hbm>>
    tpu.enqueue_indirect_dma source(%dma_start3A_93 : memref<10240x128xf32, #tpu.memory_space<hbm>>) target(%arg9 : memref<128x128xf32, #tpu.memory_space<vmem>>) offsets(%dma_start3A_90 : memref<128xi32, #tpu.memory_space<vmem>>) semaphore(%arg13 : memref<!tpu.dma_semaphore, #tpu.memory_space<semaphore_mem>>)
    %scan3A_94 = arith.constant 0 : i32
    %scan3A_95 = arith.constant 39 : i32
    %scan3A_96 = arith.addi %scan3A_94, %scan3A_95 : i32
    %scan3A_97 = arith.constant 1 : i32
    scf.for %scan3A_128 = %scan3A_94 to %scan3A_96 step %scan3A_97  : i32 {
      %mul3A_129 = arith.constant 2 : i32
      %mul3A_130 = arith.muli %scan3A_128, %mul3A_129 : i32
      %add3A_131 = arith.constant 0 : i32
      %add3A_132 = arith.addi %add3A_131, %mul3A_130 : i32
      %rem3A_133 = arith.constant 40 : i32
      %rem3A_134 = arith.remsi %add3A_132, %rem3A_133 : i32
      %eq3A = arith.constant 0 : i32
      %eq3A_135 = arith.cmpi eq, %rem3A_134, %eq3A : i32
      %gt3A = arith.constant 0 : i32
      %gt3A_136 = arith.cmpi sgt, %add3A_132, %gt3A : i32
      %and3A = arith.andi %eq3A_135, %gt3A_136 : i1
      %convert_element_type3A = arith.extui %and3A : i1 to i32
      %cond3A = arith.constant 0 : i32
      %cond3A_137 = arith.cmpi ne, %convert_element_type3A, %cond3A : i32
      scf.if %cond3A_137 {
        %multiple_of3A = tpu.assume_multiple %add3A_132, 40 : i32
        "tpu.region"() ({
          %run_scoped3A_168 = tpu.sem_alloc : memref<!tpu.dma_semaphore, #tpu.memory_space<semaphore_mem>>
          %dma_start3A_169 = arith.constant 0 : i32
          %dma_start3A_170 = tpu.memref_slice %arg4[%add3A, %multiple_of3A, %dma_start3A_169] : memref<32x80x128xi32, #tpu.memory_space<hbm>> -> memref<1x40x128xi32, #tpu.memory_space<hbm>>
          %dma_start3A_171 = tpu.memref_squeeze %dma_start3A_170 : memref<1x40x128xi32, #tpu.memory_space<hbm>> -> memref<40x128xi32, #tpu.memory_space<hbm>>
          %dma_start3A_172 = arith.constant 0 : i32
          %dma_start3A_173 = tpu.memref_slice %arg4[%add3A, %multiple_of3A, %dma_start3A_172] : memref<32x80x128xi32, #tpu.memory_space<hbm>> -> memref<1x40x128xi32, #tpu.memory_space<hbm>>
          %dma_start3A_174 = tpu.memref_squeeze %dma_start3A_173 : memref<1x40x128xi32, #tpu.memory_space<hbm>> -> memref<40x128xi32, #tpu.memory_space<hbm>>
          tpu.enqueue_dma source(%dma_start3A_174 : memref<40x128xi32, #tpu.memory_space<hbm>>) target(%arg7 : memref<40x128xi32, #tpu.memory_space<vmem>>) target_semaphore(%run_scoped3A_168 : memref<!tpu.dma_semaphore, #tpu.memory_space<semaphore_mem>>)
          %dma_wait3A_175 = arith.constant 0 : i32
          %dma_wait3A_176 = tpu.memref_slice %arg4[%add3A, %multiple_of3A, %dma_wait3A_175] : memref<32x80x128xi32, #tpu.memory_space<hbm>> -> memref<1x40x128xi32, #tpu.memory_space<hbm>>
          %dma_wait3A_177 = tpu.memref_squeeze %dma_wait3A_176 : memref<1x40x128xi32, #tpu.memory_space<hbm>> -> memref<40x128xi32, #tpu.memory_space<hbm>>
          %dma_wait3A_178 = arith.constant 0 : i32
          %dma_wait3A_179 = tpu.memref_slice %arg4[%add3A, %multiple_of3A, %dma_wait3A_178] : memref<32x80x128xi32, #tpu.memory_space<hbm>> -> memref<1x40x128xi32, #tpu.memory_space<hbm>>
          %dma_wait3A_180 = tpu.memref_squeeze %dma_wait3A_179 : memref<1x40x128xi32, #tpu.memory_space<hbm>> -> memref<40x128xi32, #tpu.memory_space<hbm>>
          tpu.wait_dma2 semaphore(%run_scoped3A_168 : memref<!tpu.dma_semaphore, #tpu.memory_space<semaphore_mem>>) src(%dma_wait3A_180 : memref<40x128xi32, #tpu.memory_space<hbm>>) dst(%arg7 : memref<40x128xi32, #tpu.memory_space<vmem>>)
          tpu.yield
        }) : () -> ()
      } else {
      }
      %dma_wait3A_138 = arith.constant 0 : i32
      %dma_wait3A_139 = tpu.memref_slice %arg6[%add3A_132, %dma_wait3A_138] : memref<80x128xi32, #tpu.memory_space<vmem>> -> memref<1x128xi32, #tpu.memory_space<vmem>>
      %dma_wait3A_140 = tpu.memref_squeeze %dma_wait3A_139 : memref<1x128xi32, #tpu.memory_space<vmem>> -> memref<128xi32, #tpu.memory_space<vmem>>
      %dma_wait3A_141 = arith.constant 0 : i32
      %dma_wait3A_142 = arith.constant 0 : i32
      %dma_wait3A_143 = tpu.memref_slice %arg2[%dma_wait3A_141, %dma_wait3A_142] : memref<10240x128xf32, #tpu.memory_space<hbm>> -> memref<10240x128xf32, #tpu.memory_space<hbm>>
      tpu.wait_indirect_dma semaphore(%arg12 : memref<!tpu.dma_semaphore, #tpu.memory_space<semaphore_mem>>) src(%dma_wait3A_143 : memref<10240x128xf32, #tpu.memory_space<hbm>>) dst(%arg8 : memref<128x128xf32, #tpu.memory_space<vmem>>)
      "tpu.region"() ({
        %run_scoped3A_168 = tpu.sem_alloc : memref<!tpu.dma_semaphore, #tpu.memory_space<semaphore_mem>>
        %dma_start3A_169 = arith.constant 0 : i32
        %dma_start3A_170 = tpu.memref_slice %arg7[%rem3A_134, %dma_start3A_169] : memref<40x128xi32, #tpu.memory_space<vmem>> -> memref<1x128xi32, #tpu.memory_space<vmem>>
        %dma_start3A_171 = tpu.memref_squeeze %dma_start3A_170 : memref<1x128xi32, #tpu.memory_space<vmem>> -> memref<128xi32, #tpu.memory_space<vmem>>
        %dma_start3A_172 = arith.constant 0 : i32
        %dma_start3A_173 = arith.constant 0 : i32
        %dma_start3A_174 = tpu.memref_slice %arg11[%dma_start3A_172, %dma_start3A_173] : memref<10240x128xf32, #tpu.memory_space<vmem_shared>> -> memref<10240x128xf32, #tpu.memory_space<vmem_shared>>
        tpu.enqueue_indirect_dma source(%arg8 : memref<128x128xf32, #tpu.memory_space<vmem>>) target(%dma_start3A_174 : memref<10240x128xf32, #tpu.memory_space<vmem_shared>>) offsets(%dma_start3A_171 : memref<128xi32, #tpu.memory_space<vmem>>) semaphore(%run_scoped3A_168 : memref<!tpu.dma_semaphore, #tpu.memory_space<semaphore_mem>>) {add = true}
        %dma_wait3A_175 = arith.constant 0 : i32
        %dma_wait3A_176 = tpu.memref_slice %arg7[%rem3A_134, %dma_wait3A_175] : memref<40x128xi32, #tpu.memory_space<vmem>> -> memref<1x128xi32, #tpu.memory_space<vmem>>
        %dma_wait3A_177 = tpu.memref_squeeze %dma_wait3A_176 : memref<1x128xi32, #tpu.memory_space<vmem>> -> memref<128xi32, #tpu.memory_space<vmem>>
        %dma_wait3A_178 = arith.constant 0 : i32
        %dma_wait3A_179 = arith.constant 0 : i32
        %dma_wait3A_180 = tpu.memref_slice %arg11[%dma_wait3A_178, %dma_wait3A_179] : memref<10240x128xf32, #tpu.memory_space<vmem_shared>> -> memref<10240x128xf32, #tpu.memory_space<vmem_shared>>
        tpu.wait_indirect_dma semaphore(%run_scoped3A_168 : memref<!tpu.dma_semaphore, #tpu.memory_space<semaphore_mem>>) src(%arg8 : memref<128x128xf32, #tpu.memory_space<vmem>>) dst(%dma_wait3A_180 : memref<10240x128xf32, #tpu.memory_space<vmem_shared>>)
        tpu.yield
      }) : () -> ()
      %add3A_144 = arith.constant 2 : i32
      %add3A_145 = arith.addi %add3A_132, %add3A_144 : i32
      %dma_start3A_146 = arith.constant 0 : i32
      %dma_start3A_147 = tpu.memref_slice %arg6[%add3A_145, %dma_start3A_146] : memref<80x128xi32, #tpu.memory_space<vmem>> -> memref<1x128xi32, #tpu.memory_space<vmem>>
      %dma_start3A_148 = tpu.memref_squeeze %dma_start3A_147 : memref<1x128xi32, #tpu.memory_space<vmem>> -> memref<128xi32, #tpu.memory_space<vmem>>
      %dma_start3A_149 = arith.constant 0 : i32
      %dma_start3A_150 = arith.constant 0 : i32
      %dma_start3A_151 = tpu.memref_slice %arg2[%dma_start3A_149, %dma_start3A_150] : memref<10240x128xf32, #tpu.memory_space<hbm>> -> memref<10240x128xf32, #tpu.memory_space<hbm>>
      tpu.enqueue_indirect_dma source(%dma_start3A_151 : memref<10240x128xf32, #tpu.memory_space<hbm>>) target(%arg8 : memref<128x128xf32, #tpu.memory_space<vmem>>) offsets(%dma_start3A_148 : memref<128xi32, #tpu.memory_space<vmem>>) semaphore(%arg12 : memref<!tpu.dma_semaphore, #tpu.memory_space<semaphore_mem>>)
      %add3A_152 = arith.constant 1 : i32
      %add3A_153 = arith.addi %add3A_132, %add3A_152 : i32
      %dma_wait3A_154 = arith.constant 0 : i32
      %dma_wait3A_155 = tpu.memref_slice %arg6[%add3A_153, %dma_wait3A_154] : memref<80x128xi32, #tpu.memory_space<vmem>> -> memref<1x128xi32, #tpu.memory_space<vmem>>
      %dma_wait3A_156 = tpu.memref_squeeze %dma_wait3A_155 : memref<1x128xi32, #tpu.memory_space<vmem>> -> memref<128xi32, #tpu.memory_space<vmem>>
      %dma_wait3A_157 = arith.constant 0 : i32
      %dma_wait3A_158 = arith.constant 0 : i32
      %dma_wait3A_159 = tpu.memref_slice %arg2[%dma_wait3A_157, %dma_wait3A_158] : memref<10240x128xf32, #tpu.memory_space<hbm>> -> memref<10240x128xf32, #tpu.memory_space<hbm>>
      tpu.wait_indirect_dma semaphore(%arg13 : memref<!tpu.dma_semaphore, #tpu.memory_space<semaphore_mem>>) src(%dma_wait3A_159 : memref<10240x128xf32, #tpu.memory_space<hbm>>) dst(%arg9 : memref<128x128xf32, #tpu.memory_space<vmem>>)
      %add3A_160 = arith.constant 1 : i32
      %add3A_161 = arith.addi %rem3A_134, %add3A_160 : i32
      "tpu.region"() ({
        %run_scoped3A_168 = tpu.sem_alloc : memref<!tpu.dma_semaphore, #tpu.memory_space<semaphore_mem>>
        %dma_start3A_169 = arith.constant 0 : i32
        %dma_start3A_170 = tpu.memref_slice %arg7[%add3A_161, %dma_start3A_169] : memref<40x128xi32, #tpu.memory_space<vmem>> -> memref<1x128xi32, #tpu.memory_space<vmem>>
        %dma_start3A_171 = tpu.memref_squeeze %dma_start3A_170 : memref<1x128xi32, #tpu.memory_space<vmem>> -> memref<128xi32, #tpu.memory_space<vmem>>
        %dma_start3A_172 = arith.constant 0 : i32
        %dma_start3A_173 = arith.constant 0 : i32
        %dma_start3A_174 = tpu.memref_slice %arg11[%dma_start3A_172, %dma_start3A_173] : memref<10240x128xf32, #tpu.memory_space<vmem_shared>> -> memref<10240x128xf32, #tpu.memory_space<vmem_shared>>
        tpu.enqueue_indirect_dma source(%arg9 : memref<128x128xf32, #tpu.memory_space<vmem>>) target(%dma_start3A_174 : memref<10240x128xf32, #tpu.memory_space<vmem_shared>>) offsets(%dma_start3A_171 : memref<128xi32, #tpu.memory_space<vmem>>) semaphore(%run_scoped3A_168 : memref<!tpu.dma_semaphore, #tpu.memory_space<semaphore_mem>>) {add = true}
        %dma_wait3A_175 = arith.constant 0 : i32
        %dma_wait3A_176 = tpu.memref_slice %arg7[%add3A_161, %dma_wait3A_175] : memref<40x128xi32, #tpu.memory_space<vmem>> -> memref<1x128xi32, #tpu.memory_space<vmem>>
        %dma_wait3A_177 = tpu.memref_squeeze %dma_wait3A_176 : memref<1x128xi32, #tpu.memory_space<vmem>> -> memref<128xi32, #tpu.memory_space<vmem>>
        %dma_wait3A_178 = arith.constant 0 : i32
        %dma_wait3A_179 = arith.constant 0 : i32
        %dma_wait3A_180 = tpu.memref_slice %arg11[%dma_wait3A_178, %dma_wait3A_179] : memref<10240x128xf32, #tpu.memory_space<vmem_shared>> -> memref<10240x128xf32, #tpu.memory_space<vmem_shared>>
        tpu.wait_indirect_dma semaphore(%run_scoped3A_168 : memref<!tpu.dma_semaphore, #tpu.memory_space<semaphore_mem>>) src(%arg9 : memref<128x128xf32, #tpu.memory_space<vmem>>) dst(%dma_wait3A_180 : memref<10240x128xf32, #tpu.memory_space<vmem_shared>>)
        tpu.yield
      }) : () -> ()
      %add3A_162 = arith.constant 3 : i32
      %add3A_163 = arith.addi %add3A_132, %add3A_162 : i32
      %lt3A = arith.constant 80 : i32
      %lt3A_164 = arith.cmpi slt, %add3A_163, %lt3A : i32
      %convert_element_type3A_165 = arith.extui %lt3A_164 : i1 to i32
      %cond3A_166 = arith.constant 0 : i32
      %cond3A_167 = arith.cmpi ne, %convert_element_type3A_165, %cond3A_166 : i32
      scf.if %cond3A_167 {
        %add3A_168 = arith.constant 3 : i32
        %add3A_169 = arith.addi %add3A_132, %add3A_168 : i32
        %dma_start3A_170 = arith.constant 0 : i32
        %dma_start3A_171 = tpu.memref_slice %arg6[%add3A_169, %dma_start3A_170] : memref<80x128xi32, #tpu.memory_space<vmem>> -> memref<1x128xi32, #tpu.memory_space<vmem>>
        %dma_start3A_172 = tpu.memref_squeeze %dma_start3A_171 : memref<1x128xi32, #tpu.memory_space<vmem>> -> memref<128xi32, #tpu.memory_space<vmem>>
        %dma_start3A_173 = arith.constant 0 : i32
        %dma_start3A_174 = arith.constant 0 : i32
        %dma_start3A_175 = tpu.memref_slice %arg2[%dma_start3A_173, %dma_start3A_174] : memref<10240x128xf32, #tpu.memory_space<hbm>> -> memref<10240x128xf32, #tpu.memory_space<hbm>>
        tpu.enqueue_indirect_dma source(%dma_start3A_175 : memref<10240x128xf32, #tpu.memory_space<hbm>>) target(%arg9 : memref<128x128xf32, #tpu.memory_space<vmem>>) offsets(%dma_start3A_172 : memref<128xi32, #tpu.memory_space<vmem>>) semaphore(%arg13 : memref<!tpu.dma_semaphore, #tpu.memory_space<semaphore_mem>>)
      } else {
      }
    }
    %scan3A_98 = arith.constant 39 : i32
    %dma_wait3A = arith.constant 78 : i32
    %dma_wait3A_99 = arith.constant 0 : i32
    %dma_wait3A_100 = tpu.memref_slice %arg6[%dma_wait3A, %dma_wait3A_99] : memref<80x128xi32, #tpu.memory_space<vmem>> -> memref<1x128xi32, #tpu.memory_space<vmem>>
    %dma_wait3A_101 = tpu.memref_squeeze %dma_wait3A_100 : memref<1x128xi32, #tpu.memory_space<vmem>> -> memref<128xi32, #tpu.memory_space<vmem>>
    %dma_wait3A_102 = arith.constant 0 : i32
    %dma_wait3A_103 = arith.constant 0 : i32
    %dma_wait3A_104 = tpu.memref_slice %arg2[%dma_wait3A_102, %dma_wait3A_103] : memref<10240x128xf32, #tpu.memory_space<hbm>> -> memref<10240x128xf32, #tpu.memory_space<hbm>>
    tpu.wait_indirect_dma semaphore(%arg12 : memref<!tpu.dma_semaphore, #tpu.memory_space<semaphore_mem>>) src(%dma_wait3A_104 : memref<10240x128xf32, #tpu.memory_space<hbm>>) dst(%arg8 : memref<128x128xf32, #tpu.memory_space<vmem>>)
    %rem3A = arith.constant 78 : i32
    %rem3A_105 = arith.constant 40 : i32
    %rem3A_106 = arith.remsi %rem3A, %rem3A_105 : i32
    "tpu.region"() ({
      %run_scoped3A_128 = tpu.sem_alloc : memref<!tpu.dma_semaphore, #tpu.memory_space<semaphore_mem>>
      %dma_start3A_129 = arith.constant 0 : i32
      %dma_start3A_130 = tpu.memref_slice %arg7[%rem3A_106, %dma_start3A_129] : memref<40x128xi32, #tpu.memory_space<vmem>> -> memref<1x128xi32, #tpu.memory_space<vmem>>
      %dma_start3A_131 = tpu.memref_squeeze %dma_start3A_130 : memref<1x128xi32, #tpu.memory_space<vmem>> -> memref<128xi32, #tpu.memory_space<vmem>>
      %dma_start3A_132 = arith.constant 0 : i32
      %dma_start3A_133 = arith.constant 0 : i32
      %dma_start3A_134 = tpu.memref_slice %arg11[%dma_start3A_132, %dma_start3A_133] : memref<10240x128xf32, #tpu.memory_space<vmem_shared>> -> memref<10240x128xf32, #tpu.memory_space<vmem_shared>>
      tpu.enqueue_indirect_dma source(%arg8 : memref<128x128xf32, #tpu.memory_space<vmem>>) target(%dma_start3A_134 : memref<10240x128xf32, #tpu.memory_space<vmem_shared>>) offsets(%dma_start3A_131 : memref<128xi32, #tpu.memory_space<vmem>>) semaphore(%run_scoped3A_128 : memref<!tpu.dma_semaphore, #tpu.memory_space<semaphore_mem>>) {add = true}
      %dma_wait3A_135 = arith.constant 0 : i32
      %dma_wait3A_136 = tpu.memref_slice %arg7[%rem3A_106, %dma_wait3A_135] : memref<40x128xi32, #tpu.memory_space<vmem>> -> memref<1x128xi32, #tpu.memory_space<vmem>>
      %dma_wait3A_137 = tpu.memref_squeeze %dma_wait3A_136 : memref<1x128xi32, #tpu.memory_space<vmem>> -> memref<128xi32, #tpu.memory_space<vmem>>
      %dma_wait3A_138 = arith.constant 0 : i32
      %dma_wait3A_139 = arith.constant 0 : i32
      %dma_wait3A_140 = tpu.memref_slice %arg11[%dma_wait3A_138, %dma_wait3A_139] : memref<10240x128xf32, #tpu.memory_space<vmem_shared>> -> memref<10240x128xf32, #tpu.memory_space<vmem_shared>>
      tpu.wait_indirect_dma semaphore(%run_scoped3A_128 : memref<!tpu.dma_semaphore, #tpu.memory_space<semaphore_mem>>) src(%arg8 : memref<128x128xf32, #tpu.memory_space<vmem>>) dst(%dma_wait3A_140 : memref<10240x128xf32, #tpu.memory_space<vmem_shared>>)
      tpu.yield
    }) : () -> ()
    %dma_wait3A_107 = arith.constant 79 : i32
    %dma_wait3A_108 = arith.constant 0 : i32
    %dma_wait3A_109 = tpu.memref_slice %arg6[%dma_wait3A_107, %dma_wait3A_108] : memref<80x128xi32, #tpu.memory_space<vmem>> -> memref<1x128xi32, #tpu.memory_space<vmem>>
    %dma_wait3A_110 = tpu.memref_squeeze %dma_wait3A_109 : memref<1x128xi32, #tpu.memory_space<vmem>> -> memref<128xi32, #tpu.memory_space<vmem>>
    %dma_wait3A_111 = arith.constant 0 : i32
    %dma_wait3A_112 = arith.constant 0 : i32
    %dma_wait3A_113 = tpu.memref_slice %arg2[%dma_wait3A_111, %dma_wait3A_112] : memref<10240x128xf32, #tpu.memory_space<hbm>> -> memref<10240x128xf32, #tpu.memory_space<hbm>>
    tpu.wait_indirect_dma semaphore(%arg13 : memref<!tpu.dma_semaphore, #tpu.memory_space<semaphore_mem>>) src(%dma_wait3A_113 : memref<10240x128xf32, #tpu.memory_space<hbm>>) dst(%arg9 : memref<128x128xf32, #tpu.memory_space<vmem>>)
    %rem3A_114 = arith.constant 79 : i32
    %rem3A_115 = arith.constant 40 : i32
    %rem3A_116 = arith.remsi %rem3A_114, %rem3A_115 : i32
    "tpu.region"() ({
      %run_scoped3A_128 = tpu.sem_alloc : memref<!tpu.dma_semaphore, #tpu.memory_space<semaphore_mem>>
      %dma_start3A_129 = arith.constant 0 : i32
      %dma_start3A_130 = tpu.memref_slice %arg7[%rem3A_116, %dma_start3A_129] : memref<40x128xi32, #tpu.memory_space<vmem>> -> memref<1x128xi32, #tpu.memory_space<vmem>>
      %dma_start3A_131 = tpu.memref_squeeze %dma_start3A_130 : memref<1x128xi32, #tpu.memory_space<vmem>> -> memref<128xi32, #tpu.memory_space<vmem>>
      %dma_start3A_132 = arith.constant 0 : i32
      %dma_start3A_133 = arith.constant 0 : i32
      %dma_start3A_134 = tpu.memref_slice %arg11[%dma_start3A_132, %dma_start3A_133] : memref<10240x128xf32, #tpu.memory_space<vmem_shared>> -> memref<10240x128xf32, #tpu.memory_space<vmem_shared>>
      tpu.enqueue_indirect_dma source(%arg9 : memref<128x128xf32, #tpu.memory_space<vmem>>) target(%dma_start3A_134 : memref<10240x128xf32, #tpu.memory_space<vmem_shared>>) offsets(%dma_start3A_131 : memref<128xi32, #tpu.memory_space<vmem>>) semaphore(%run_scoped3A_128 : memref<!tpu.dma_semaphore, #tpu.memory_space<semaphore_mem>>) {add = true}
      %dma_wait3A_135 = arith.constant 0 : i32
      %dma_wait3A_136 = tpu.memref_slice %arg7[%rem3A_116, %dma_wait3A_135] : memref<40x128xi32, #tpu.memory_space<vmem>> -> memref<1x128xi32, #tpu.memory_space<vmem>>
      %dma_wait3A_137 = tpu.memref_squeeze %dma_wait3A_136 : memref<1x128xi32, #tpu.memory_space<vmem>> -> memref<128xi32, #tpu.memory_space<vmem>>
      %dma_wait3A_138 = arith.constant 0 : i32
      %dma_wait3A_139 = arith.constant 0 : i32
      %dma_wait3A_140 = tpu.memref_slice %arg11[%dma_wait3A_138, %dma_wait3A_139] : memref<10240x128xf32, #tpu.memory_space<vmem_shared>> -> memref<10240x128xf32, #tpu.memory_space<vmem_shared>>
      tpu.wait_indirect_dma semaphore(%run_scoped3A_128 : memref<!tpu.dma_semaphore, #tpu.memory_space<semaphore_mem>>) src(%arg9 : memref<128x128xf32, #tpu.memory_space<vmem>>) dst(%dma_wait3A_140 : memref<10240x128xf32, #tpu.memory_space<vmem_shared>>)
      tpu.yield
    }) : () -> ()
    %barrier3A_117 = arith.constant 0 : index
    tpu.barrier barrier_id(%barrier3A_117)
    %scan3A_118 = arith.constant 0 : i32
    %scan3A_119 = arith.constant 5 : i32
    %scan3A_120 = arith.addi %scan3A_118, %scan3A_119 : i32
    %scan3A_121 = arith.constant 1 : i32
    scf.for %scan3A_128 = %scan3A_118 to %scan3A_120 step %scan3A_121  : i32 {
      %mul3A_129 = arith.constant 1 : i32
      %mul3A_130 = arith.muli %scan3A_128, %mul3A_129 : i32
      %add3A_131 = arith.constant 0 : i32
      %add3A_132 = arith.addi %add3A_131, %mul3A_130 : i32
      %mul3A_133 = arith.constant 128 : i32
      %mul3A_134 = arith.muli %add3A_132, %mul3A_133 : i32
      %add3A_135 = arith.addi %mul3A_2, %mul3A_134 : i32
      %dma_start3A_136 = arith.constant 0 : i32
      %dma_start3A_137 = tpu.memref_slice %arg5[%arg0, %add3A_135, %dma_start3A_136] : memref<2x10240x128xf32, #tpu.memory_space<hbm>> -> memref<1x128x128xf32, #tpu.memory_space<hbm>>
      %dma_start3A_138 = tpu.memref_squeeze %dma_start3A_137 : memref<1x128x128xf32, #tpu.memory_space<hbm>> -> memref<128x128xf32, #tpu.memory_space<hbm>>
      %dma_start3A_139 = arith.constant 0 : i32
      %dma_start3A_140 = tpu.memref_slice %arg11[%add3A_135, %dma_start3A_139] : memref<10240x128xf32, #tpu.memory_space<vmem_shared>> -> memref<128x128xf32, #tpu.memory_space<vmem_shared>>
      tpu.enqueue_dma source(%dma_start3A_140 : memref<128x128xf32, #tpu.memory_space<vmem_shared>>) target(%dma_start3A_138 : memref<128x128xf32, #tpu.memory_space<hbm>>) target_semaphore(%arg14 : memref<!tpu.dma_semaphore, #tpu.memory_space<semaphore_mem>>)
    }
    %scan3A_122 = arith.constant 5 : i32
    %scan3A_123 = arith.constant 0 : i32
    %scan3A_124 = arith.constant 5 : i32
    %scan3A_125 = arith.addi %scan3A_123, %scan3A_124 : i32
    %scan3A_126 = arith.constant 1 : i32
    scf.for %scan3A_128 = %scan3A_123 to %scan3A_125 step %scan3A_126  : i32 {
      %mul3A_129 = arith.constant 1 : i32
      %mul3A_130 = arith.muli %scan3A_128, %mul3A_129 : i32
      %add3A_131 = arith.constant 0 : i32
      %add3A_132 = arith.addi %add3A_131, %mul3A_130 : i32
      %mul3A_133 = arith.constant 128 : i32
      %mul3A_134 = arith.muli %add3A_132, %mul3A_133 : i32
      %add3A_135 = arith.addi %mul3A_2, %mul3A_134 : i32
      %dma_wait3A_136 = arith.constant 0 : i32
      %dma_wait3A_137 = tpu.memref_slice %arg5[%arg0, %add3A_135, %dma_wait3A_136] : memref<2x10240x128xf32, #tpu.memory_space<hbm>> -> memref<1x128x128xf32, #tpu.memory_space<hbm>>
      %dma_wait3A_138 = tpu.memref_squeeze %dma_wait3A_137 : memref<1x128x128xf32, #tpu.memory_space<hbm>> -> memref<128x128xf32, #tpu.memory_space<hbm>>
      %dma_wait3A_139 = arith.constant 0 : i32
      %dma_wait3A_140 = tpu.memref_slice %arg11[%add3A_135, %dma_wait3A_139] : memref<10240x128xf32, #tpu.memory_space<vmem_shared>> -> memref<128x128xf32, #tpu.memory_space<vmem_shared>>
      tpu.wait_dma2 semaphore(%arg14 : memref<!tpu.dma_semaphore, #tpu.memory_space<semaphore_mem>>) src(%dma_wait3A_140 : memref<128x128xf32, #tpu.memory_space<vmem_shared>>) dst(%dma_wait3A_138 : memref<128x128xf32, #tpu.memory_space<hbm>>)
    }
    %scan3A_127 = arith.constant 5 : i32
    return
  }
}

module attributes {stable_mosaic.version = 14 : i64} {
  func.func @body(%arg0: memref<10240x128xf32, #tpu.memory_space<vmem>>, %arg1: memref<2x32x10240xf32, #tpu.memory_space<vmem>>, %arg2: memref<128x128xf32, #tpu.memory_space<vmem>>, %arg3: memref<10240x128xf32, #tpu.memory_space<vmem>>, %arg4: memref<10240x1xf32, #tpu.memory_space<vmem>>, %arg5: memref<10240x1xf32, #tpu.memory_space<vmem>>) attributes {dimension_semantics = [], scalar_prefetch = 0 : i64, scratch_operands = 0 : i64, tpu.core_type = #tpu.core_type<tc>} {
    %get3A = arith.constant 0 : index
    %get3A_0 = arith.constant 0 : index
    %get3A_1 = arith.constant 0 : index
    %get3A_2 = vector.load %arg1[%get3A, %get3A_0, %get3A_1] : memref<2x32x10240xf32, #tpu.memory_space<vmem>>, vector<2x32x10240xf32>
    %broadcast_in_dim3A = arith.constant 1.000000e+00 : f32
    %broadcast_in_dim3A_3 = vector.broadcast %broadcast_in_dim3A : f32 to vector<32x1xf32>
    %slice3A = vector.extract_strided_slice %get3A_2 {offsets = [0, 0, 0], sizes = [1, 32, 10240], strides = [1, 1, 1]} : vector<2x32x10240xf32> to vector<1x32x10240xf32>
    %squeeze3A = vector.shape_cast %slice3A : vector<1x32x10240xf32> to vector<32x10240xf32>
    %dot_general3A = arith.constant dense<0.000000e+00> : vector<10240x1xf32>
    %dot_general3A_4 = tpu.matmul %squeeze3A, %broadcast_in_dim3A_3, %dot_general3A {dimension_numbers = #tpu.dot_dimension_numbers<[0], [0], [1], [1], [0, 1, 1, 1], [], []>, transpose_lhs_hint = false} : vector<32x10240xf32>, vector<32x1xf32>, vector<10240x1xf32> -> vector<10240x1xf32>
    %slice3A_5 = vector.extract_strided_slice %get3A_2 {offsets = [1, 0, 0], sizes = [1, 32, 10240], strides = [1, 1, 1]} : vector<2x32x10240xf32> to vector<1x32x10240xf32>
    %squeeze3A_6 = vector.shape_cast %slice3A_5 : vector<1x32x10240xf32> to vector<32x10240xf32>
    %dot_general3A_7 = arith.constant dense<0.000000e+00> : vector<10240x1xf32>
    %dot_general3A_8 = tpu.matmul %squeeze3A_6, %broadcast_in_dim3A_3, %dot_general3A_7 {dimension_numbers = #tpu.dot_dimension_numbers<[0], [0], [1], [1], [0, 1, 1, 1], [], []>, transpose_lhs_hint = false} : vector<32x10240xf32>, vector<32x1xf32>, vector<10240x1xf32> -> vector<10240x1xf32>
    %gt3A = arith.constant 0.000000e+00 : f32
    %gt3A_9 = vector.broadcast %gt3A : f32 to vector<10240x1xf32>
    %gt3A_10 = arith.cmpf ogt, %dot_general3A_4, %gt3A_9 : vector<10240x1xf32>
    %max3A = arith.constant 1.000000e+00 : f32
    %max3A_11 = vector.broadcast %max3A : f32 to vector<10240x1xf32>
    %max3A_12 = arith.maximumf %dot_general3A_4, %max3A_11 : vector<10240x1xf32>
    %rsqrt3A = math.rsqrt %max3A_12 : vector<10240x1xf32>
    %jit3A = arith.constant 0.000000e+00 : f32
    %broadcast_in_dim3A_13 = vector.broadcast %jit3A : f32 to vector<10240x1xf32>
    %select_n3A = arith.select %gt3A_10, %rsqrt3A, %broadcast_in_dim3A_13 : vector<10240x1xi1>, vector<10240x1xf32>
    %gt3A_14 = arith.constant 0.000000e+00 : f32
    %gt3A_15 = vector.broadcast %gt3A_14 : f32 to vector<10240x1xf32>
    %gt3A_16 = arith.cmpf ogt, %dot_general3A_8, %gt3A_15 : vector<10240x1xf32>
    %max3A_17 = arith.constant 1.000000e+00 : f32
    %max3A_18 = vector.broadcast %max3A_17 : f32 to vector<10240x1xf32>
    %max3A_19 = arith.maximumf %dot_general3A_8, %max3A_18 : vector<10240x1xf32>
    %rsqrt3A_20 = math.rsqrt %max3A_19 : vector<10240x1xf32>
    %jit3A_21 = arith.constant 0.000000e+00 : f32
    %broadcast_in_dim3A_22 = vector.broadcast %jit3A_21 : f32 to vector<10240x1xf32>
    %select_n3A_23 = arith.select %gt3A_16, %rsqrt3A_20, %broadcast_in_dim3A_22 : vector<10240x1xi1>, vector<10240x1xf32>
    %swap3A = arith.constant 0 : index
    %swap3A_24 = arith.constant 0 : index
    %swap3A_25 = vector.load %arg4[%swap3A, %swap3A_24] : memref<10240x1xf32, #tpu.memory_space<vmem>>, vector<10240x1xf32>
    tpu.vector_store %arg4[%swap3A, %swap3A_24], %select_n3A {strides = array<i32>} : memref<10240x1xf32, #tpu.memory_space<vmem>>, vector<10240x1xf32>,
    %swap3A_26 = arith.constant 0 : index
    %swap3A_27 = arith.constant 0 : index
    %swap3A_28 = vector.load %arg5[%swap3A_26, %swap3A_27] : memref<10240x1xf32, #tpu.memory_space<vmem>>, vector<10240x1xf32>
    tpu.vector_store %arg5[%swap3A_26, %swap3A_27], %select_n3A_23 {strides = array<i32>} : memref<10240x1xf32, #tpu.memory_space<vmem>>, vector<10240x1xf32>,
    %get3A_29 = arith.constant 0 : index
    %get3A_30 = arith.constant 0 : index
    %get3A_31 = vector.load %arg0[%get3A_29, %get3A_30] : memref<10240x128xf32, #tpu.memory_space<vmem>>, vector<10240x128xf32>
    %mul3A = vector.broadcast %select_n3A : vector<10240x1xf32> to vector<10240x128xf32>
    %mul3A_32 = arith.mulf %get3A_31, %mul3A : vector<10240x128xf32>
    %get3A_33 = arith.constant 0 : index
    %get3A_34 = arith.constant 0 : index
    %get3A_35 = vector.load %arg2[%get3A_33, %get3A_34] : memref<128x128xf32, #tpu.memory_space<vmem>>, vector<128x128xf32>
    %dot_general3A_36 = arith.constant dense<0.000000e+00> : vector<10240x128xf32>
    %dot_general3A_37 = tpu.matmul %mul3A_32, %get3A_35, %dot_general3A_36 {dimension_numbers = #tpu.dot_dimension_numbers<[1], [0], [0], [1], [0, 0, 1, 1], [], []>, transpose_lhs_hint = false} : vector<10240x128xf32>, vector<128x128xf32>, vector<10240x128xf32> -> vector<10240x128xf32>
    %swap3A_38 = arith.constant 0 : index
    %swap3A_39 = arith.constant 0 : index
    %swap3A_40 = vector.load %arg3[%swap3A_38, %swap3A_39] : memref<10240x128xf32, #tpu.memory_space<vmem>>, vector<10240x128xf32>
    tpu.vector_store %arg3[%swap3A_38, %swap3A_39], %dot_general3A_37 {strides = array<i32>} : memref<10240x128xf32, #tpu.memory_space<vmem>>, vector<10240x128xf32>,
    return
  }
}

module attributes {stable_mosaic.version = 14 : i64} {
  func.func @body(%arg0: memref<2x10240x128xf32, #tpu.memory_space<vmem>>, %arg1: memref<10240x1xf32, #tpu.memory_space<vmem>>, %arg2: memref<1x128xf32, #tpu.memory_space<vmem>>, %arg3: memref<128x128xf32, #tpu.memory_space<vmem>>, %arg4: memref<1x128xf32, #tpu.memory_space<vmem>>, %arg5: memref<128x64xf32, #tpu.memory_space<vmem>>, %arg6: memref<1x64xf32, #tpu.memory_space<vmem>>, %arg7: memref<10000x64xf32, #tpu.memory_space<vmem>>) attributes {dimension_semantics = [], scalar_prefetch = 0 : i64, scratch_operands = 0 : i64, tpu.core_type = #tpu.core_type<tc>} {
    %get3A = arith.constant 0 : index
    %get3A_0 = arith.constant 0 : index
    %get3A_1 = arith.constant 0 : index
    %get3A_2 = vector.load %arg0[%get3A, %get3A_0, %get3A_1] : memref<2x10240x128xf32, #tpu.memory_space<vmem>>, vector<1x10000x128xf32>
    %get3A_3 = vector.shape_cast %get3A_2 : vector<1x10000x128xf32> to vector<10000x128xf32>
    %get3A_4 = arith.constant 1 : index
    %get3A_5 = arith.constant 0 : index
    %get3A_6 = arith.constant 0 : index
    %get3A_7 = vector.load %arg0[%get3A_4, %get3A_5, %get3A_6] : memref<2x10240x128xf32, #tpu.memory_space<vmem>>, vector<1x10000x128xf32>
    %get3A_8 = vector.shape_cast %get3A_7 : vector<1x10000x128xf32> to vector<10000x128xf32>
    %add3A = arith.addf %get3A_3, %get3A_8 : vector<10000x128xf32>
    %get3A_9 = arith.constant 0 : index
    %get3A_10 = arith.constant 0 : index
    %get3A_11 = vector.load %arg1[%get3A_9, %get3A_10] : memref<10240x1xf32, #tpu.memory_space<vmem>>, vector<10000x1xf32>
    %mul3A = vector.broadcast %get3A_11 : vector<10000x1xf32> to vector<10000x128xf32>
    %mul3A_12 = arith.mulf %add3A, %mul3A : vector<10000x128xf32>
    %get3A_13 = arith.constant 0 : index
    %get3A_14 = arith.constant 0 : index
    %get3A_15 = vector.load %arg2[%get3A_13, %get3A_14] : memref<1x128xf32, #tpu.memory_space<vmem>>, vector<1x128xf32>
    %add3A_16 = vector.broadcast %get3A_15 : vector<1x128xf32> to vector<10000x128xf32>
    %add3A_17 = arith.addf %mul3A_12, %add3A_16 : vector<10000x128xf32>
    %max3A = arith.constant 0.000000e+00 : f32
    %max3A_18 = vector.broadcast %max3A : f32 to vector<10000x128xf32>
    %max3A_19 = arith.maximumf %add3A_17, %max3A_18 : vector<10000x128xf32>
    %get3A_20 = arith.constant 0 : index
    %get3A_21 = arith.constant 0 : index
    %get3A_22 = vector.load %arg3[%get3A_20, %get3A_21] : memref<128x128xf32, #tpu.memory_space<vmem>>, vector<128x128xf32>
    %dot_general3A = arith.constant dense<0.000000e+00> : vector<10000x128xf32>
    %dot_general3A_23 = tpu.matmul %max3A_19, %get3A_22, %dot_general3A {dimension_numbers = #tpu.dot_dimension_numbers<[1], [0], [0], [1], [0, 0, 1, 1], [], []>, transpose_lhs_hint = false} : vector<10000x128xf32>, vector<128x128xf32>, vector<10000x128xf32> -> vector<10000x128xf32>
    %get3A_24 = arith.constant 0 : index
    %get3A_25 = arith.constant 0 : index
    %get3A_26 = vector.load %arg4[%get3A_24, %get3A_25] : memref<1x128xf32, #tpu.memory_space<vmem>>, vector<1x128xf32>
    %add3A_27 = vector.broadcast %get3A_26 : vector<1x128xf32> to vector<10000x128xf32>
    %add3A_28 = arith.addf %dot_general3A_23, %add3A_27 : vector<10000x128xf32>
    %neg3A = arith.constant 0.000000e+00 : f32
    %neg3A_29 = vector.broadcast %neg3A : f32 to vector<10000x128xf32>
    %neg3A_30 = arith.subf %neg3A_29, %add3A_28 : vector<10000x128xf32>
    %exp3A = math.exp %neg3A_30 : vector<10000x128xf32>
    %add3A_31 = arith.constant 1.000000e+00 : f32
    %add3A_32 = vector.broadcast %add3A_31 : f32 to vector<10000x128xf32>
    %add3A_33 = arith.addf %add3A_32, %exp3A : vector<10000x128xf32>
    %div3A = arith.constant 1.000000e+00 : f32
    %div3A_34 = vector.broadcast %div3A : f32 to vector<10000x128xf32>
    %div3A_35 = arith.divf %div3A_34, %add3A_33 : vector<10000x128xf32>
    %get3A_36 = arith.constant 0 : index
    %get3A_37 = arith.constant 0 : index
    %get3A_38 = vector.load %arg5[%get3A_36, %get3A_37] : memref<128x64xf32, #tpu.memory_space<vmem>>, vector<128x64xf32>
    %dot_general3A_39 = arith.constant dense<0.000000e+00> : vector<10000x64xf32>
    %dot_general3A_40 = tpu.matmul %div3A_35, %get3A_38, %dot_general3A_39 {dimension_numbers = #tpu.dot_dimension_numbers<[1], [0], [0], [1], [0, 0, 1, 1], [], []>, transpose_lhs_hint = false} : vector<10000x128xf32>, vector<128x64xf32>, vector<10000x64xf32> -> vector<10000x64xf32>
    %get3A_41 = arith.constant 0 : index
    %get3A_42 = arith.constant 0 : index
    %get3A_43 = vector.load %arg6[%get3A_41, %get3A_42] : memref<1x64xf32, #tpu.memory_space<vmem>>, vector<1x64xf32>
    %add3A_44 = vector.broadcast %get3A_43 : vector<1x64xf32> to vector<10000x64xf32>
    %add3A_45 = arith.addf %dot_general3A_40, %add3A_44 : vector<10000x64xf32>
    %swap3A = arith.constant 0 : index
    %swap3A_46 = arith.constant 0 : index
    %swap3A_47 = vector.load %arg7[%swap3A, %swap3A_46] : memref<10000x64xf32, #tpu.memory_space<vmem>>, vector<10000x64xf32>
    tpu.vector_store %arg7[%swap3A, %swap3A_46], %add3A_45 {strides = array<i32>} : memref<10000x64xf32, #tpu.memory_space<vmem>>, vector<10000x64xf32>,
    return
  }
}

module attributes {stable_mosaic.version = 14 : i64} {
  func.func @body(%arg0: memref<2x10240x128xf32, #tpu.memory_space<vmem>>, %arg1: memref<10240x1xf32, #tpu.memory_space<vmem>>, %arg2: memref<10240x1xf32, #tpu.memory_space<vmem>>, %arg3: memref<1x128xf32, #tpu.memory_space<vmem>>, %arg4: memref<128x128xf32, #tpu.memory_space<vmem>>, %arg5: memref<10240x128xf32, #tpu.memory_space<vmem>>) attributes {dimension_semantics = [], scalar_prefetch = 0 : i64, scratch_operands = 0 : i64, tpu.core_type = #tpu.core_type<tc>} {
    %get3A = arith.constant 0 : index
    %get3A_0 = arith.constant 0 : index
    %get3A_1 = arith.constant 0 : index
    %get3A_2 = vector.load %arg0[%get3A, %get3A_0, %get3A_1] : memref<2x10240x128xf32, #tpu.memory_space<vmem>>, vector<1x10240x128xf32>
    %get3A_3 = vector.shape_cast %get3A_2 : vector<1x10240x128xf32> to vector<10240x128xf32>
    %get3A_4 = arith.constant 1 : index
    %get3A_5 = arith.constant 0 : index
    %get3A_6 = arith.constant 0 : index
    %get3A_7 = vector.load %arg0[%get3A_4, %get3A_5, %get3A_6] : memref<2x10240x128xf32, #tpu.memory_space<vmem>>, vector<1x10240x128xf32>
    %get3A_8 = vector.shape_cast %get3A_7 : vector<1x10240x128xf32> to vector<10240x128xf32>
    %add3A = arith.addf %get3A_3, %get3A_8 : vector<10240x128xf32>
    %get3A_9 = arith.constant 0 : index
    %get3A_10 = arith.constant 0 : index
    %get3A_11 = vector.load %arg2[%get3A_9, %get3A_10] : memref<10240x1xf32, #tpu.memory_space<vmem>>, vector<10240x1xf32>
    %mul3A = vector.broadcast %get3A_11 : vector<10240x1xf32> to vector<10240x128xf32>
    %mul3A_12 = arith.mulf %add3A, %mul3A : vector<10240x128xf32>
    %get3A_13 = arith.constant 0 : index
    %get3A_14 = arith.constant 0 : index
    %get3A_15 = vector.load %arg3[%get3A_13, %get3A_14] : memref<1x128xf32, #tpu.memory_space<vmem>>, vector<1x128xf32>
    %add3A_16 = vector.broadcast %get3A_15 : vector<1x128xf32> to vector<10240x128xf32>
    %add3A_17 = arith.addf %mul3A_12, %add3A_16 : vector<10240x128xf32>
    %max3A = arith.constant 0.000000e+00 : f32
    %max3A_18 = vector.broadcast %max3A : f32 to vector<10240x128xf32>
    %max3A_19 = arith.maximumf %add3A_17, %max3A_18 : vector<10240x128xf32>
    %get3A_20 = arith.constant 0 : index
    %get3A_21 = arith.constant 0 : index
    %get3A_22 = vector.load %arg1[%get3A_20, %get3A_21] : memref<10240x1xf32, #tpu.memory_space<vmem>>, vector<10240x1xf32>
    %mul3A_23 = vector.broadcast %get3A_22 : vector<10240x1xf32> to vector<10240x128xf32>
    %mul3A_24 = arith.mulf %max3A_19, %mul3A_23 : vector<10240x128xf32>
    %get3A_25 = arith.constant 0 : index
    %get3A_26 = arith.constant 0 : index
    %get3A_27 = vector.load %arg4[%get3A_25, %get3A_26] : memref<128x128xf32, #tpu.memory_space<vmem>>, vector<128x128xf32>
    %dot_general3A = arith.constant dense<0.000000e+00> : vector<10240x128xf32>
    %dot_general3A_28 = tpu.matmul %mul3A_24, %get3A_27, %dot_general3A {dimension_numbers = #tpu.dot_dimension_numbers<[1], [0], [0], [1], [0, 0, 1, 1], [], []>, transpose_lhs_hint = false} : vector<10240x128xf32>, vector<128x128xf32>, vector<10240x128xf32> -> vector<10240x128xf32>
    %swap3A = arith.constant 0 : index
    %swap3A_29 = arith.constant 0 : index
    %swap3A_30 = vector.load %arg5[%swap3A, %swap3A_29] : memref<10240x128xf32, #tpu.memory_space<vmem>>, vector<10240x128xf32>
    tpu.vector_store %arg5[%swap3A, %swap3A_29], %dot_general3A_28 {strides = array<i32>} : memref<10240x128xf32, #tpu.memory_space<vmem>>, vector<10240x128xf32>,
    return
  }
}

</mosaic_0001>

<sc_bundles>
// kernel: kernel.11.cloned.1.call-start
scs
__scs_entry_jumppad:
0x0: {  	(pc) =	sbr.rel $0x88, $3  }
0x1: {  	(tag) =	ssettag $0x0;
	lr =	simm.s32 $0x1  }
0x2: {  	[smem:$0x3F97] =	sst lr;
	_ =	strace $0xD0000000  }
0x3: {  	_ = 	snop  }
0x4: {  	_ = 	snop  }
0x5: {  	_ = 	snop  }
0x6: {  	_ = 	snop  }
0x7: {  	_ = 	snop  }
__scs_overlays_trampoline_lowered:
0x8: {  	[smem:$0x3FA6] =	sst s0  }
0x9: {  	[smem:$0x3FA7] =	sst s1  }
0xa: {  	[smem:$0x3FA8] =	sst s2  }
0xb: {  	[smem:$0x3FA9] =	sst s3  }
0xc: {  	[smem:$0x3FAA] =	sst s4  }
0xd: {  	[smem:$0x3FAB] =	sst s5  }
0xe: {  	[smem:$0x3FAC] =	sst s6  }
0xf: {  	[smem:$0x3FAD] =	sst s7  }
0x10: {  	[smem:$0x3FAE] =	sst s8  }
0x11: {  	[smem:$0x3FAF] =	sst s9;
	s0 =	simm.s32 @!p0 $0x0  }
0x12: {  	s1 =	sld [smem:$0x3F95];
	s0 =	simm.s32 @p0 $0x1  }
0x13: {  	[smem:$0x3FB0] =	sst s0;
	s0 =	simm.s32 @!p1 $0x0  }
0x14: {  	s2 =	sld [smem:$0x3F94];
	s0 =	simm.s32 @p1 $0x1  }
0x15: {  	[smem:$0x3FB1] =	sst s0;
	s0 =	simm.s32 @!p2 $0x0  }
0x16: {  	s3 =	sld [smem:$0x3FDB];
	s0 =	simm.s32 @p2 $0x1  }
0x17: {  	s4 =	simm.s32 $0x1BF5;
	[smem:$0x3FB3] =	sst s0  }
0x18: {  	s0 =	sld [smem:$0x3F96];
	_ =	swait.ge [sflag:s4], $0x0  }
0x19: {  	s7 =	sld [smem:$0x3F97]  }
0x1a: {  	s8 =	sadd.s32 $0xFFFFE003, lr  }
0x1b: {  	s9 =	sadd.s32 $0xFFFFFEF7, lr;
	s5 =	simm.s32 $0xFFFFFFFF;
	p2 =	slt.u32 s8, $0xFFFFF086  }
0x1c: {  	p1 =	slt.u32 s9, $0xF7A;
	s5 =	simm.s32 @!p2 $0x0  }
0x1d: {  	s5 =	simm.s32 @p1 $0x1;
	p0 =	seq.s32 s7, s2  }
0x1e: {  	s7 =	smul.u32 @!p0 $0xF7A, s2;
	p2 =	seq.s32 @!p0 s5, $0x0  }
0x1f: {  	s9 =	smul.u32 $0xF7A, s1;
	s8 =	simm.s32 @!p0 $0x1BF5;
	p2 =	por !p2, p0  }
0x20: {  	[sflag:s8] =	ssyncset.s32 @!p0 $0xFFFFF086;
	s6 =	sadd.s32 @!p0 s3, s7;
	s7 =	simm.s32 @!p0 $0x108  }
0x21: {  	s3 =	sadd.s32 s3, s9;
	s6 =	sadd.s32 @!p0 $0x88, s6;
	s7 =	simm.s32 @p2 $0x1082  }
0x22: {  	[simem:s7], [sflag:s8] =	dma.local @!p0 [hbm:s6], $0xF7A  }
0x23: {  	s9 =	sor.u32 $0xD0000000, s2;
	s6 =	simm.s32 $0x108;
	_ =	swait.ge @!p0 [sflag:s8], $0x0  }
0x24: {  	s3 =	sadd.s32 $0x88, s3;
	s6 =	simm.s32 @!p1 $0x1082;
	[sflag:s4] =	ssyncset.s32 $0xFFFFF086  }
0x25: {  	[simem:s6], [sflag:s4] =	dma.local [hbm:s3], $0xF7A  }
0x26: {  	[smem:$0x3F97] =	sst s1;
	(tag) =	ssettag s2;
	_ =	strace s9  }
0x27: {  	s1 =	sld [smem:$0x3FA7]  }
0x28: {  	s2 =	sld [smem:$0x3FA8]  }
0x29: {  	s4 =	sld [smem:$0x3FAA]  }
0x2a: {  	p0 =	seq.s32 s5, $0x0;
	s5 =	sld [smem:$0x3FAB]  }
0x2b: {  	s6 =	sld [smem:$0x3FAC]  }
0x2c: {  	s7 =	sld [smem:$0x3FAD]  }
0x2d: {  	s3 =	simm.s32 $0x108;
	s8 =	sld [smem:$0x3FAE]  }
0x2e: {  	s3 =	simm.s32 @!p0 $0x1082;
	s9 =	sld [smem:$0x3FAF]  }
0x2f: {  	lr =	sadd.s32 s0, s3;
	s0 =	sld [smem:$0x3FA6]  }
0x30: {  	s3 =	sld [smem:$0x3FA9]  }
0x31: {  	[smem:$0x3FB2] =	sst s10  }
0x32: {  	s10 =	sld [smem:$0x3FB0];
	_ =	sdelay $0x3  }
0x33: {  	p0 =	seq.s32 s10, $0x1;
	s10 =	sld [smem:$0x3FB2];
	_ =	sdelay $0x3  }
0x34: {  	[smem:$0x3FB2] =	sst s10  }
0x35: {  	s10 =	sld [smem:$0x3FB1];
	_ =	sdelay $0x3  }
0x36: {  	p1 =	seq.s32 s10, $0x1;
	s10 =	sld [smem:$0x3FB2];
	_ =	sdelay $0x3  }
0x37: {  	[smem:$0x3FB2] =	sst s10  }
0x38: {  	s10 =	sld [smem:$0x3FB3]  }
0x39: {  	_ = 	snop;
	(pc) =	sbr.ind lr, $3  }
0x3a: {  	_ = 	snop  }
0x3b: {  	_ = 	snop  }
0x3c: {  	p2 =	seq.s32 s10, $0x1;
	s10 =	sld [smem:$0x3FB2]  }
0x3d: {  	_ =	shalt  }
0x3e: {  	_ =	shalt  }
0x3f: {  	_ =	shalt  }
0x40: {  	_ =	shalt  }
0x41: {  	_ =	shalt  }
0x42: {  	_ =	shalt  }
0x43: {  	_ =	shalt  }
0x44: {  	_ =	shalt  }
0x45: {  	_ =	shalt  }
0x46: {  	_ =	shalt  }
0x47: {  	_ =	shalt  }
0x48: {  	_ =	shalt  }
0x49: {  	_ =	shalt  }
0x4a: {  	_ =	shalt  }
0x4b: {  	_ =	shalt  }
0x4c: {  	_ =	shalt  }
0x4d: {  	_ =	shalt  }
0x4e: {  	_ =	shalt  }
0x4f: {  	_ =	shalt  }
0x50: {  	_ =	shalt  }
0x51: {  	_ =	shalt  }
0x52: {  	_ =	shalt  }
0x53: {  	_ =	shalt  }
0x54: {  	_ =	shalt  }
0x55: {  	_ =	shalt  }
0x56: {  	_ =	shalt  }
0x57: {  	_ =	shalt  }
0x58: {  	_ =	shalt  }
0x59: {  	_ =	shalt  }
0x5a: {  	_ =	shalt  }
0x5b: {  	_ =	shalt  }
0x5c: {  	_ =	shalt  }
0x5d: {  	_ =	shalt  }
0x5e: {  	_ =	shalt  }
0x5f: {  	_ =	shalt  }
0x60: {  	_ =	shalt  }
0x61: {  	_ =	shalt  }
0x62: {  	_ =	shalt  }
0x63: {  	_ =	shalt  }
0x64: {  	_ =	shalt  }
0x65: {  	_ =	shalt  }
0x66: {  	_ =	shalt  }
0x67: {  	_ =	shalt  }
0x68: {  	_ =	shalt  }
0x69: {  	_ =	shalt  }
0x6a: {  	_ =	shalt  }
0x6b: {  	_ =	shalt  }
0x6c: {  	_ =	shalt  }
0x6d: {  	_ =	shalt  }
0x6e: {  	_ =	shalt  }
0x6f: {  	_ =	shalt  }
0x70: {  	_ =	shalt  }
0x71: {  	_ =	shalt  }
0x72: {  	_ =	shalt  }
0x73: {  	_ =	shalt  }
0x74: {  	_ =	shalt  }
0x75: {  	_ =	shalt  }
0x76: {  	_ =	shalt  }
0x77: {  	_ =	shalt  }
0x78: {  	_ =	shalt  }
0x79: {  	_ =	shalt  }
0x7a: {  	_ =	shalt  }
0x7b: {  	_ =	shalt  }
0x7c: {  	_ =	shalt  }
0x7d: {  	_ =	shalt  }
0x7e: {  	_ =	shalt  }
0x7f: {  	_ =	shalt  }
0x80: {  	_ =	shalt  }
0x81: {  	_ =	shalt  }
0x82: {  	_ =	shalt  }
0x83: {  	_ =	shalt  }
0x84: {  	_ =	shalt  }
0x85: {  	_ =	shalt  }
0x86: {  	_ =	shalt  }
0x87: {  	_ =	shalt  }
.Lfunc_end0:
.L_simem_size_0:
called_computation.1_lowered:
.L_overlay_start_0:
0x88: {  	s2 =	sld [smem:$0x3FD9]  }
0x89: {  	s3 =	sld [smem:$0x3FFE];
	_ =	sdelay $0x1  }
0x8a: {  	s1 =	srdreg.scid  }
0x8b: {  	s0 =	sand.u32 $0x1, s1  }
0x8c: {  	s17 =	sshll.u32 s0, $0xA;
	s2 =	sadd.s32 s3, s2  }
0x8d: {  	s2 =	sadd.s32 s2, s17  }
0x8e: {  	[smem:$0x3FBE] =	sst s2  }
0x8f: {  	_ = 	snop  }
0x90: {  	s2 =	sld [smem:$0x3FD0];
	(tm) =	ssettm $0x1  }
0x91: {  	s18 =	sld [smem:$0x3FFB];
	_ =	sdelay $0x3  }
0x92: {  	_ =	strace s18  }
0x93: {  	s3 =	sld [smem:$0x3FFC];
	_ =	sdelay $0x3  }
0x94: {  	_ =	strace s3  }
0x95: {  	s3 =	sld [smem:$0x3FFD];
	_ =	sdelay $0x3  }
0x96: {  	_ =	strace s3  }
0x97: {  	_ =	strace $0x8FFFFFFF  }
0x98: {  	s19 =	sld [smem:$0x3FDB];
	_ =	sdelay $0x1  }
0x99: {  	s4 =	simm.s32 $_scs_section_size  }
0x9a: {  	s5 =	simm.s32 $_size__tile_overlayer_lowered;
	s6 =	simm.s32 $_tile_overlayer_lowered  }
0x9b: {  	s22 =	simm.s32 $0x1BFF;
	s21 =	sshll.u32 s6, $0x1;
	s3 =	sadd.s32 s4, s19  }
0x9c: {  	s7 =	simm.s32 $0x0;
	s20 =	sshll.u32 s5, $0x1;
	s5 =	sadd.s32 s21, s3  }
0x9d: {  	[timem:s7], [sflag:s22] =	dma.local [hbm:s5], s20  }
0x9e: {  	_ =	swait.ge [sflag:s22], s20  }
0x9f: {  	s4 =	ssub.s32 $0x0, s20;
	[sflag:s22] =	ssyncset.done $0x0  }
0xa0: {  	[sflag:s22] =	ssyncadd.s32 s4;
	_ =	sdelay $0x1  }
0xa1: {  	s23 =	simm.s32 $0x1B8B  }
0xa2: {  	_ =	swait.ge [sflag:s23], $0x1  }
0xa3: {  	[sflag:s23] =	ssyncset.done $0x0  }
0xa4: {  	s25 =	simm.s32 $0x1B8E;
	s24 =	sld [smem:$0x3FFE];
	[sflag:s23] =	ssyncadd.s32 $0xFFFFFFFF  }
0xa5: {  	s26 =	simm.s32 $execute0_lowered;
	[smem:$0x3FD2] =	sst s25  }
0xa6: {  	s5 =	sshll.u32 s26, $0x1;
	_ =	strace $0x80000049;
	[dreg:$0x1] =	wrdreg $0xFFFFFFFF  }
0xa7: {  	s28 =	simm.s32 $_size_execute0_lowered;
	s3 =	sadd.s32 s3, s5;
	[dreg:$0x0] =	wrdreg $0x0  }
0xa8: {  	s5 =	sshll.u32 s28, $0x1;
	[dreg:$0x2] =	wrdreg s3  }
0xa9: {  	[dreg:$0x3] =	wrdreg s5  }
0xaa: {  	[dreg:$0x4] =	wrdreg $0xC0  }
0xab: {  	_ =	task [dreg:s7], $0x5FFFF  }
0xac: {  	[dreg:$0x1] =	wrdreg $0xFFFFFFFF  }
0xad: {  	[dreg:$0x0] =	wrdreg $0x60  }
0xae: {  	[dreg:$0x2] =	wrdreg s24  }
0xaf: {  	[dreg:$0x3] =	wrdreg s2  }
0xb0: {  	[dreg:$0x4] =	wrdreg $0xBC800  }
0xb1: {  	[dreg:$0x5] =	wrdreg $0x9  }
0xb2: {  	_ =	task.clear_ibuf [dreg:s7], $0x6FFFF;
	_ =	strace $0x90000049  }
0xb3: {  	s29 =	simm.s32 $0x9;
	_ =	strace $0x8000004B  }
0xb4: {  	_ =	swait.ge [sflag:s29], $0x1  }
0xb5: {  	[sflag:s29] =	ssyncadd.s32 $0xFFFFFFFF  }
0xb6: {  	_ =	strace $0x9000004B  }
0xb7: {  	_ =	sfence  }
0xb8: {  	s30 =	sld [smem:$0x0];
	_ =	sdelay $0x2  }
0xb9: {  	s31 =	sshll.u32 s1, $0xD;
	s1 =	sshrl.u32 s1, $0x2  }
0xba: {  	s3 =	sand.u32 $0x4000, s31;
	s1 =	sadd.s32 s1, s30  }
0xbb: {  	s0 =	sor.u32 s3, s0;
	s1 =	sshll.u32 s1, $0x11  }
0xbc: {  	s0 =	sor.u32 s1, s0  }
0xbd: {  	s0 =	sadd.s32 $0x8F2B, s0  }
0xbe: {  	[sflag:s0] =	ssyncadd.remote.s32 $0x1  }
0xbf: {  	_ =	sfence.sel $0xFFFF  }
0xc0: {  	[dreg:$0x0] =	wrdreg $0xFFFFFFFF;
	(pc) =	sbr.abs _section_cstart, $3  }
0xc1: {  	[dreg:$0x1] =	wrdreg $0xFFFFFFFF  }
0xc2: {  	_ =	task.clear_ibuf [dreg:s7], $0x2FFFF;
	_ =	strace $0x9FFFFFFF  }
0xc3: {  	(tm) =	ssettm $0x7FFFFFFF  }
tec
execute0_lowered:
.L_overlay_start_1:
0x0: {  	(tag) =	ssettag $0x1  }
0x1: {  	s0 =	rddreg [dreg:$0x0]  }
0x2: {  	s1 =	srdreg.scid;
	s2 =	rddreg [dreg:$0x1]  }
0x3: {  	s3 =	rddreg [dreg:$0x2];
	s16 =	stileid.u32  }
0x4: {  	s4 =	simm.s32 $0x0;
	s28 =	simm.s32 $0x2800;
	s1 =	sand.u32 $0x1, s1  }
0x5: {  	[smem:$0x7FF] =	sst s4;
	s6 =	sadd.s32 $0xC800, s0;
	s11 =	smul.u32 $0x7, s16  }
0x6: {  	s18 =	smul.u32 $0x14000, s16;
	s5 =	sshll.u32 s1, $0x4;
	_ =	strace $0x8000004A  }
0x7: {  	s8 =	ssub.s32 $0x2, s1;
	s1 =	smul.u32 $0x140000, s1;
	s5 =	sor.u32 s16, s5  }
0x8: {  	s10 =	sshrl.u32 s8, $0x1;
	s30 =	sadd.s32 $0x2710, s11;
	s12 =	sadd.s32 $0x4000, s18  }
0x9: {  	s13 =	sadd.s32 $0x2730, s11;
	s29 =	sadd.s32 $0x2740, s11;
	s16 =	smul.u32 $0x50000, s16  }
0xa: {  	s21 =	sadd.s32 $0x8000, s18;
	s17 =	sadd.s32 $0xC000, s18;
	s31 =	sadd.s32 $0x2760, s11  }
0xb: {  	s5 =	smul.u32 $0x2800, s5;
	s8 =	ssub.s32 s8, s10;
	s14 =	sadd.s32 s1, s18  }
0xc: {  	v7 =	vlaneseq.u32;
	s15 =	sadd.s32 s1, s12;
	s10 =	sadd.s32 $0x10000, s18;
	s24 =	sadd.s32 s1, s21  }
0xd: {  	s18 =	sadd.s32 s1, s17;
	s23 =	sadd.s32 s12, s3;
	v0 =	vadd.s32 s30, v7;
	s30 =	simm.s32 $0x7C00  }
0xe: {  	v3 =	vadd.s32 s29, v7;
	s29 =	simm.s32 $0x2;
	v5 =	vadd.s32 s31, v7;
	s31 =	simm.s32 $0x3;
	s14 =	sshrl.u32 s14, $0x3  }
0xf: {  	s15 =	sshrl.u32 s15, $0x3;
	s1 =	sadd.s32 s1, s10;
	s18 =	sshrl.u32 s18, $0x3  }
0x10: {  	s22 =	smax.u32 s8, $0x1;
	s10 =	sadd.s32 s10, s3;
	s7 =	sshrl.u32 s5, $0x3  }
0x11: {  	s1 =	sshrl.u32 s1, $0x3;
	[dreg:$0xb] =	wrdreg s22;
	s9 =	sadd.s32 s7, s0  }
0x12: {  	s0 =	sadd.s32 $0x34800, s0;
	s7 =	sadd.s32 s2, s7;
	s9 =	sadd.s32 $0x2800, s9  }
0x13: {  	[dreg:$0x5] =	wrdreg s7;
	s19 =	sadd.s32 s0, s14;
	s20 =	sadd.s32 s0, s15  }
0x14: {  	s14 =	sshrl.u32 s24, $0x3;
	s26 =	sadd.s32 s0, s18;
	[dreg:$0x4] =	wrdreg s9  }
0x15: {  	s7 =	sadd.s32 $0x2750, s11;
	s24 =	sadd.s32 s21, s3;
	[dreg:$0x6] =	wrdreg s19  }
0x16: {  	s9 =	sadd.s32 $0x2720, s11;
	[dreg:$0x7] =	wrdreg s20;
	s25 =	sadd.s32 s0, s14  }
0x17: {  	[dreg:$0x9] =	wrdreg s26;
	s0 =	sadd.s32 s0, s1;
	s14 =	sshrl.u32 s16, $0x2  }
0x18: {  	s16 =	sadd.s32 $0x2770, s11;
	s11 =	sor.u32 $0x2780, s11;
	[dreg:$0x8] =	wrdreg s25  }
0x19: {  	s1 =	sshrl.u32 s23, $0x3;
	s26 =	sshrl.u32 s24, $0x3;
	[dreg:$0xa] =	wrdreg s0  }
0x1a: {  	s19 =	sshrl.u32 s10, $0x3;
	s24 =	simm.s32 $0x4;
	[dreg:$0xc] =	wrdreg s1  }
0x1b: {  	s14 =	sadd.s32 s14, s3;
	s25 =	sadd.s32 s17, s3;
	[dreg:$0xd] =	wrdreg s26  }
0x1c: {  	s26 =	simm.s32 $0x3C00;
	s1 =	simm.s32 $0x1;
	s0 =	simm.s32 $0x0  }
0x1d: {  	v2 =	vadd.s32 s13, v7;
	v4 =	vadd.s32 s7, v7;
	s18 =	sshrl.u32 s25, $0x3;
	s20 =	sadd.s32 $0x4000, s14;
	s21 =	sadd.s32 $0x8000, s14  }
0x1e: {  	v1 =	vadd.s32 s9, v7;
	v6 =	vadd.s32 s16, v7;
	v7 =	vadd.s32 s11, v7;
	s22 =	sadd.s32 $0xC000, s14;
	s23 =	sadd.s32 $0x10000, s14;
	s25 =	simm.s32 $0x80  }
.LBB2_1:
0x1f: {  	s7 =	rddreg [dreg:$0x4]  }
0x20: {  	[tilespmem:s4], [sflag:$0x4] =	stream.linear.gather [hbm4b:s7+s4], $0x2800, $0x38;
	[tilespmem:$0x1FC80] =	vst v63  }
0x21: {  	_ =	swait.ge [sflag:s24], $0x2800  }
0x22: {  	[sflag:s24] =	ssyncset.done $0x0  }
0x23: {  	[sflag:s24] =	ssyncadd.s32 $0xFFFFD800  }
0x24: {  	[tilespmem:s26], [sflag:$0x1] =	stream.indirect.gather [hbm4b:s6+s25], $0x80, s4, s25, $0xb8;
	[tilespmem:$0x1FC80] =	vst v63  }
0x25: {  	s12 =	rddreg [dreg:$0x5]  }
0x26: {  	[tilespmem:s28], [sflag:$0x4] =	stream.linear.gather [hbm4b:s12+s4], $0x1400, $0x38;
	[tilespmem:$0x1FC80] =	vst v63  }
0x27: {  	_ =	swait.ge [sflag:s24], $0x1400  }
0x28: {  	[sflag:s24] =	ssyncset.done $0x0  }
0x29: {  	[sflag:s24] =	ssyncadd.s32 $0xFFFFEC00  }
0x2a: {  	[tilespmem:$0xBC00] =	vst v0  }
0x2b: {  	[tilespmem:$0xBC10] =	vst v1  }
0x2c: {  	[tilespmem:$0xBC20] =	vst v2  }
0x2d: {  	[tilespmem:$0xBC30] =	vst v3  }
0x2e: {  	[tilespmem:$0xBC40] =	vst v4  }
0x2f: {  	[tilespmem:$0xBC50] =	vst v5  }
0x30: {  	[tilespmem:$0xBC60] =	vst v6  }
0x31: {  	s13 =	simm.s32 $0xBC00;
	[tilespmem:$0xBC70] =	vst v7  }
0x32: {  	[tilespmem:s30], [sflag:$0x4] =	stream.indirect.gather [hbm4b:s6+s25], $0x80, s13, s25, $0xb8;
	[tilespmem:$0x1FC80] =	vst v63  }
0x33: {  	_ =	swait.ge [sflag:s24], $0x4000  }
0x34: {  	[sflag:s24] =	ssyncset.done $0x0  }
0x35: {  	[sflag:s24] =	ssyncadd.s32 $0xFFFFC000  }
0x36: {  	[spmem:s14] =	stream.linear.scatter [tilespmem:s30], [sflag:$0x4], $0x4000, $0x38;
	[tilespmem:$0x1FC80] =	vst v63  }
0x37: {  	_ =	swait.ge [sflag:s24], $0x4000  }
0x38: {  	[sflag:s24] =	ssyncset.done $0x0  }
0x39: {  	[sflag:s24] =	ssyncadd.s32 $0xFFFFC000  }
0x3a: {  	[spmem:s20] =	stream.linear.scatter [tilespmem:s30], [sflag:$0x4], $0x4000, $0x38;
	[tilespmem:$0x1FC80] =	vst v63  }
0x3b: {  	_ =	swait.ge [sflag:s24], $0x4000  }
0x3c: {  	[sflag:s24] =	ssyncset.done $0x0  }
0x3d: {  	[sflag:s24] =	ssyncadd.s32 $0xFFFFC000  }
0x3e: {  	[spmem:s21] =	stream.linear.scatter [tilespmem:s30], [sflag:$0x4], $0x4000, $0x38;
	[tilespmem:$0x1FC80] =	vst v63  }
0x3f: {  	_ =	swait.ge [sflag:s24], $0x4000  }
0x40: {  	[sflag:s24] =	ssyncset.done $0x0  }
0x41: {  	[sflag:s24] =	ssyncadd.s32 $0xFFFFC000  }
0x42: {  	[spmem:s22] =	stream.linear.scatter [tilespmem:s30], [sflag:$0x4], $0x4000, $0x38;
	[tilespmem:$0x1FC80] =	vst v63  }
0x43: {  	_ =	swait.ge [sflag:s24], $0x4000  }
0x44: {  	[sflag:s24] =	ssyncset.done $0x0  }
0x45: {  	[sflag:s24] =	ssyncadd.s32 $0xFFFFC000  }
0x46: {  	[spmem:s23] =	stream.linear.scatter [tilespmem:s30], [sflag:$0x4], $0x4000, $0x38;
	[tilespmem:$0x1FC80] =	vst v63  }
0x47: {  	_ =	swait.ge [sflag:s24], $0x4000  }
0x48: {  	[sflag:s24] =	ssyncset.done $0x0  }
0x49: {  	[sflag:s24] =	ssyncadd.s32 $0xFFFFC000  }
0x4a: {  	[bflag:$0x0] =	sbarrier.arrive $0xFFFF  }
0x4b: {  	[tilespmem:s30], [sflag:$0x2] =	stream.indirect.gather [hbm4b:s6+s25], $0x80, s25, s25, $0xb8;
	[tilespmem:$0x1FC80] =	vst v63  }
0x4c: {  	_ =	swait.ge [sflag:s1], $0x4000  }
0x4d: {  	[sflag:s1] =	ssyncset.done $0x0  }
0x4e: {  	[sflag:s1] =	ssyncadd.s32 $0xFFFFC000  }
0x4f: {  	[spmem:s3] =	stream.indirect.scatter.add.f32 [tilespmem:s26], [sflag:$0x4], $0x80, s28, s25, $0xb8;
	[tilespmem:$0x1FC80] =	vst v63  }
0x50: {  	_ =	swait.ge [sflag:s24], $0x4000  }
0x51: {  	[sflag:s24] =	ssyncset.done $0x0  }
0x52: {  	s7 =	simm.s32 $0x100;
	[sflag:s24] =	ssyncadd.s32 $0xFFFFC000  }
0x53: {  	[tilespmem:s26], [sflag:$0x1] =	stream.indirect.gather [hbm4b:s6+s25], $0x80, s7, s25, $0xb8;
	[tilespmem:$0x1FC80] =	vst v63  }
0x54: {  	_ =	swait.ge [sflag:s29], $0x4000  }
0x55: {  	[sflag:s29] =	ssyncset.done $0x0  }
0x56: {  	s8 =	simm.s32 $0x2880;
	[sflag:s29] =	ssyncadd.s32 $0xFFFFC000  }
0x57: {  	[spmem:s3] =	stream.indirect.scatter.add.f32 [tilespmem:s30], [sflag:$0x4], $0x80, s8, s25, $0xb8;
	[tilespmem:$0x1FC80] =	vst v63  }
0x58: {  	p0 =	por $0x1, $0x1;
	s8 =	simm.s32 $0xFFFFFFDA  }
0x59: {  	_ =	swait.ge [sflag:s24], $0x4000;
	s8 =	smov.u32 @p0 s29  }
0x5a: {  	[sflag:s24] =	ssyncset.done $0x0;
	p0 =	sne.s32 s8, $0x0  }
0x5b: {  	s15 =	simm.s32 $0x180;
	[sflag:s24] =	ssyncadd.s32 $0xFFFFC000;
	s9 =	sand.u32 @!p0 $0x3C00, s7  }
0x5c: {  	[tilespmem:s30], [sflag:$0x2] =	stream.indirect.gather [hbm4b:s6+s25], $0x80, s15, s25, $0xb8;
	[tilespmem:$0x1FC80] =	vst v63  }
0x5d: {  	s7 =	sand.u32 @!p0 $0x300, s7;
	s9 =	sadd.s32 @!p0 s5, s9  }
0x5e: {  	s7 =	sor.u32 @!p0 s7, s9  }
0x5f: {  	s10 =	simm.s32 @!p0 $0x0;
	s7 =	sshrl.u32 @!p0 s7, $0x3  }
0x60: {  	s11 =	simm.s32 @!p0 $0x2800;
	s9 =	simm.s32 @!p0 $0x4;
	s7 =	sadd.s32 @!p0 s2, s7  }
0x61: {  	[tilespmem:s11], [sflag:$0x4] =	stream.linear.gather @!p0 [hbm4b:s7+s10], $0x1400, $0x38;
	[tilespmem:$0x1FC80] =	vst v63  }
0x62: {  	_ =	swait.ge @!p0 [sflag:s9], $0x1400  }
0x63: {  	[sflag:s9] =	ssyncset.done @!p0 $0x0  }
0x64: {  	[sflag:s9] =	ssyncadd.s32 @!p0 $0xFFFFEC00  }
0x65: {  	s16 =	sshll.u32 s8, $0x7;
	_ =	swait.ge [sflag:s1], $0x4000  }
0x66: {  	s7 =	sand.u32 $0x3FFFFF80, s16;
	[sflag:s1] =	ssyncset.done $0x0  }
0x67: {  	s17 =	sadd.s32 $0x2800, s7;
	[sflag:s1] =	ssyncadd.s32 $0xFFFFC000  }
0x68: {  	[spmem:s3] =	stream.indirect.scatter.add.f32 [tilespmem:s26], [sflag:$0x4], $0x80, s17, s25, $0xb8;
	[tilespmem:$0x1FC80] =	vst v63  }
0x69: {  	s12 =	simm.s32 $0x200;
	_ =	swait.ge [sflag:s24], $0x4000  }
0x6a: {  	s8 =	simm.s32 $0x3;
	s10 =	simm.s32 $0x200;
	[sflag:s24] =	ssyncset.done $0x0  }
0x6b: {  	s11 =	simm.s32 $0x4;
	s7 =	sadd.s32 $0x2880, s7;
	[sflag:s24] =	ssyncadd.s32 $0xFFFFC000  }
0x6c: {  	[tilespmem:s26], [sflag:$0x1] =	stream.indirect.gather [hbm4b:s6+s25], $0x80, s12, s25, $0xb8;
	[tilespmem:$0x1FC80] =	vst v63  }
0x6d: {  	p0 =	por $0x1, $0x1;
	s12 =	simm.s32 $0xFFFFFFDC;
	_ =	swait.ge [sflag:s29], $0x4000  }
0x6e: {  	s9 =	simm.s32 $0x280;
	s12 =	smov.u32 @p0 s11;
	[sflag:s29] =	ssyncset.done $0x0  }
0x6f: {  	p0 =	sne.s32 s12, $0x0;
	s12 =	sshll.u32 s12, $0x7;
	[sflag:s29] =	ssyncadd.s32 $0xFFFFC000  }
0x70: {  	s13 =	sand.u32 @!p0 $0x3C00, s10;
	s12 =	sand.u32 $0x3FFFFF80, s12;
	s15 =	sand.u32 @!p0 $0x300, s10  }
0x71: {  	[spmem:s3] =	stream.indirect.scatter.add.f32 [tilespmem:s30], [sflag:$0x4], $0x80, s7, s25, $0xb8;
	[tilespmem:$0x1FC80] =	vst v63  }
0x72: {  	s7 =	simm.s32 $0x380;
	s13 =	sadd.s32 @!p0 s5, s13;
	_ =	swait.ge [sflag:s24], $0x4000  }
.LBB2_2:
0x73: {  	s13 =	sor.u32 @!p0 s15, s13  }
0x74: {  	[sflag:s24] =	ssyncset.done $0x0;
	s15 =	smov.u32 s8;
	s8 =	sadd.s32 $0x1, s8  }
0x75: {  	s16 =	simm.s32 @!p0 $0x4;
	s13 =	sshrl.u32 @!p0 s13, $0x3;
	[sflag:s24] =	ssyncadd.s32 $0xFFFFC000  }
0x76: {  	[tilespmem:s30], [sflag:$0x2] =	stream.indirect.gather [hbm4b:s6+s25], $0x80, s9, s25, $0xb8;
	[tilespmem:$0x1FC80] =	vst v63  }
0x77: {  	s17 =	simm.s32 @!p0 $0x2800;
	s9 =	sadd.s32 @!p0 s2, s13;
	s13 =	simm.s32 @!p0 $0x0  }
0x78: {  	[tilespmem:s17], [sflag:$0x4] =	stream.linear.gather @!p0 [hbm4b:s9+s13], $0x1400, $0x38;
	[tilespmem:$0x1FC80] =	vst v63  }
0x79: {  	p1 =	sne.s32 s8, $0x27;
	s9 =	smov.u32 s7;
	_ =	swait.ge @!p0 [sflag:s16], $0x1400  }
0x7a: {  	[sflag:s16] =	ssyncset.done @!p0 $0x0  }
0x7b: {  	[sflag:s16] =	ssyncadd.s32 @!p0 $0xFFFFEC00  }
0x7c: {  	_ =	swait.ge [sflag:s1], $0x4000  }
0x7d: {  	[sflag:s1] =	ssyncset.done $0x0  }
0x7e: {  	s13 =	sadd.s32 $0x2800, s12;
	s7 =	sadd.s32 $0x100, s7;
	[sflag:s1] =	ssyncadd.s32 $0xFFFFC000  }
0x7f: {  	[spmem:s3] =	stream.indirect.scatter.add.f32 [tilespmem:s26], [sflag:$0x4], $0x80, s13, s25, $0xb8;
	[tilespmem:$0x1FC80] =	vst v63  }
0x80: {  	s10 =	sadd.s32 $0x100, s10;
	s13 =	sadd.s32 $0xFFFFFF80, s9;
	_ =	swait.ge [sflag:s24], $0x4000  }
0x81: {  	s11 =	sadd.s32 $0x2, s11;
	s16 =	sadd.s32 $0x2880, s12;
	[sflag:s24] =	ssyncset.done $0x0  }
0x82: {  	s12 =	sadd.s32 $0xFFFFFFD8, s11;
	p0 =	slt.u32 s15, $0x14;
	[sflag:s24] =	ssyncadd.s32 $0xFFFFC000  }
0x83: {  	[tilespmem:s26], [sflag:$0x1] =	stream.indirect.gather [hbm4b:s6+s25], $0x80, s13, s25, $0xb8;
	[tilespmem:$0x1FC80] =	vst v63  }
.Ltmp0:
0x84: {  	s12 =	smov.u32 @p0 s11;
	_ =	swait.ge [sflag:s29], $0x4000;
	(pc) =	sbr.rel @p1 .LBB2_2-.Ltmp0, $4  }
0x85: {  	p0 =	sne.s32 s12, $0x0;
	s12 =	sshll.u32 s12, $0x7;
	[sflag:s29] =	ssyncset.done $0x0  }
0x86: {  	s12 =	sand.u32 $0x3FFFFF80, s12;
	s13 =	sand.u32 @!p0 $0x3C00, s10;
	[sflag:s29] =	ssyncadd.s32 $0xFFFFC000  }
0x87: {  	[spmem:s3] =	stream.indirect.scatter.add.f32 [tilespmem:s30], [sflag:$0x4], $0x80, s16, s25, $0xb8;
	[tilespmem:$0x1FC80] =	vst v63  }
0x88: {  	s15 =	sand.u32 @!p0 $0x300, s10;
	s13 =	sadd.s32 @!p0 s5, s13;
	_ =	swait.ge [sflag:s24], $0x4000  }
0x89: {  	s8 =	sor.u32 @!p0 s15, s13;
	[sflag:s24] =	ssyncset.done $0x0  }
0x8a: {  	s8 =	sshrl.u32 @!p0 s8, $0x3;
	[sflag:s24] =	ssyncadd.s32 $0xFFFFC000  }
0x8b: {  	[tilespmem:s30], [sflag:$0x2] =	stream.indirect.gather [hbm4b:s6+s25], $0x80, s9, s25, $0xb8;
	[tilespmem:$0x1FC80] =	vst v63  }
0x8c: {  	s10 =	simm.s32 @!p0 $0x2800;
	s8 =	sadd.s32 @!p0 s2, s8;
	s9 =	simm.s32 @!p0 $0x0  }
0x8d: {  	[tilespmem:s10], [sflag:$0x4] =	stream.linear.gather @!p0 [hbm4b:s8+s9], $0x1400, $0x38;
	[tilespmem:$0x1FC80] =	vst v63  }
0x8e: {  	s8 =	simm.s32 @!p0 $0x4  }
0x8f: {  	_ =	swait.ge @!p0 [sflag:s8], $0x1400  }
0x90: {  	[sflag:s8] =	ssyncset.done @!p0 $0x0  }
0x91: {  	[sflag:s8] =	ssyncadd.s32 @!p0 $0xFFFFEC00  }
0x92: {  	_ =	swait.ge [sflag:s1], $0x4000  }
0x93: {  	[sflag:s1] =	ssyncset.done $0x0  }
0x94: {  	s17 =	sadd.s32 $0x2800, s12;
	[sflag:s1] =	ssyncadd.s32 $0xFFFFC000  }
0x95: {  	[spmem:s3] =	stream.indirect.scatter.add.f32 [tilespmem:s26], [sflag:$0x4], $0x80, s17, s25, $0xb8;
	[tilespmem:$0x1FC80] =	vst v63  }
0x96: {  	_ =	swait.ge [sflag:s24], $0x4000  }
0x97: {  	[sflag:s24] =	ssyncset.done $0x0  }
0x98: {  	s9 =	sadd.s32 $0xFFFFFF80, s7;
	[sflag:s24] =	ssyncadd.s32 $0xFFFFC000  }
0x99: {  	[tilespmem:s26], [sflag:$0x1] =	stream.indirect.gather [hbm4b:s6+s25], $0x80, s9, s25, $0xb8;
	[tilespmem:$0x1FC80] =	vst v63  }
0x9a: {  	_ =	swait.ge [sflag:s29], $0x4000  }
0x9b: {  	[sflag:s29] =	ssyncset.done $0x0  }
0x9c: {  	s10 =	sadd.s32 $0x2880, s12;
	[sflag:s29] =	ssyncadd.s32 $0xFFFFC000  }
0x9d: {  	[spmem:s3] =	stream.indirect.scatter.add.f32 [tilespmem:s30], [sflag:$0x4], $0x80, s10, s25, $0xb8;
	[tilespmem:$0x1FC80] =	vst v63  }
0x9e: {  	_ =	swait.ge [sflag:s24], $0x4000  }
0x9f: {  	[sflag:s24] =	ssyncset.done $0x0  }
0xa0: {  	[sflag:s24] =	ssyncadd.s32 $0xFFFFC000  }
0xa1: {  	[tilespmem:s30], [sflag:$0x2] =	stream.indirect.gather [hbm4b:s6+s25], $0x80, s7, s25, $0xb8;
	[tilespmem:$0x1FC80] =	vst v63  }
0xa2: {  	_ =	swait.ge [sflag:s1], $0x4000  }
0xa3: {  	[sflag:s1] =	ssyncset.done $0x0  }
0xa4: {  	s11 =	simm.s32 $0x3B00;
	[sflag:s1] =	ssyncadd.s32 $0xFFFFC000  }
0xa5: {  	[spmem:s3] =	stream.indirect.scatter.add.f32 [tilespmem:s26], [sflag:$0x4], $0x80, s11, s25, $0xb8;
	[tilespmem:$0x1FC80] =	vst v63  }
0xa6: {  	_ =	swait.ge [sflag:s24], $0x4000  }
0xa7: {  	[sflag:s24] =	ssyncset.done $0x0  }
0xa8: {  	[sflag:s24] =	ssyncadd.s32 $0xFFFFC000  }
0xa9: {  	_ =	swait.ge [sflag:s29], $0x4000  }
0xaa: {  	[sflag:s29] =	ssyncset.done $0x0  }
0xab: {  	s12 =	simm.s32 $0x3B80;
	[sflag:s29] =	ssyncadd.s32 $0xFFFFC000  }
0xac: {  	[spmem:s3] =	stream.indirect.scatter.add.f32 [tilespmem:s30], [sflag:$0x4], $0x80, s12, s25, $0xb8;
	[tilespmem:$0x1FC80] =	vst v63  }
0xad: {  	_ =	swait.ge [sflag:s24], $0x4000  }
0xae: {  	[sflag:s24] =	ssyncset.done $0x0  }
0xaf: {  	s13 =	stileid.u32;
	[sflag:s24] =	ssyncadd.s32 $0xFFFFC000  }
0xb0: {  	s7 =	sshll.u32 s13, $0x6;
	[bflag:$0x0] =	sbarrier.arrive $0xFFFF  }
0xb1: {  	s15 =	sshrl.u32 s14, $0x3;
	s7 =	sor.u32 $0x1C03, s7;
	s16 =	rddreg [dreg:$0x6]  }
0xb2: {  	[hbm:s16], [sflag:s7] =	dma.local [spmem:s15], $0x800  }
0xb3: {  	s8 =	rddreg [dreg:$0x7]  }
0xb4: {  	s9 =	rddreg [dreg:$0xc]  }
0xb5: {  	[hbm:s8], [sflag:s7] =	dma.local [spmem:s9], $0x800  }
0xb6: {  	s8 =	rddreg [dreg:$0x8]  }
0xb7: {  	s9 =	rddreg [dreg:$0xd]  }
0xb8: {  	[hbm:s8], [sflag:s7] =	dma.local [spmem:s9], $0x800  }
0xb9: {  	s8 =	rddreg [dreg:$0x9]  }
0xba: {  	[hbm:s8], [sflag:s7] =	dma.local [spmem:s18], $0x800  }
0xbb: {  	s8 =	rddreg [dreg:$0xa]  }
0xbc: {  	[hbm:s8], [sflag:s7] =	dma.local [spmem:s19], $0x800  }
0xbd: {  	_ =	swait.ge [sflag:s31], $0x800  }
0xbe: {  	[sflag:s31] =	ssyncset.done $0x0  }
0xbf: {  	[sflag:s31] =	ssyncadd.s32 $0xFFFFF800  }
0xc0: {  	_ =	swait.ge [sflag:s31], $0x800  }
0xc1: {  	[sflag:s31] =	ssyncset.done $0x0  }
0xc2: {  	[sflag:s31] =	ssyncadd.s32 $0xFFFFF800  }
0xc3: {  	_ =	swait.ge [sflag:s31], $0x800  }
0xc4: {  	[sflag:s31] =	ssyncset.done $0x0  }
0xc5: {  	[sflag:s31] =	ssyncadd.s32 $0xFFFFF800  }
0xc6: {  	_ =	swait.ge [sflag:s31], $0x800  }
0xc7: {  	[sflag:s31] =	ssyncset.done $0x0  }
0xc8: {  	[sflag:s31] =	ssyncadd.s32 $0xFFFFF800  }
0xc9: {  	_ =	swait.ge [sflag:s31], $0x800  }
0xca: {  	s0 =	sadd.s32 $0x1, s0;
	s17 =	rddreg [dreg:$0xb]  }
0xcb: {  	p0 =	sne.s32 s0, s17  }
.Ltmp1:
0xcc: {  	_ = 	snop;
	(pc) =	sbr.rel @p0 .LBB2_1-.Ltmp1, $3  }
0xcd: {  	_ =	sdelay $0x1  }
0xce: {  	[sflag:s31] =	ssyncset.done $0x0  }
0xcf: {  	[sflag:s31] =	ssyncadd.s32 $0xFFFFF800  }
0xd0: {  	_ =	sfence.sel $0x180000  }
0xd1: {  	[bflag:$0x0] =	sbarrier.arrive $0xFFFF  }
0xd2: {  	_ =	strace $0x9000004A  }
0xd3: {  	s0 =	stileid.u32;
	[bflag:$0x2] =	sbarrier.arrive $0xFFFF  }
0xd4: {  	p0 =	sne.s32 s0, $0x0;
	s0 =	rddreg [dreg:$0x3]  }
0xd5: {  	s0 =	sadd.s32 @!p0 $0x100000, s0  }
0xd6: {  	[sflag:s0] =	ssyncadd.tile.s32 @!p0 $0x1;
	_ =	shalt  }
.Lfunc_end2:
_tile_overlayer_lowered:
.L_overlay_start_2:
0xd7: {  	(tag) =	ssettag $0x2  }
0xd8: {  	s0 =	rddreg [dreg:$0x0];
	s2 =	stileid.u32  }
0xd9: {  	s1 =	rddreg [dreg:$0x1];
	p0 =	sne.s32 s2, $0x0  }
0xda: {  	s3 =	rddreg [dreg:$0x2];
	[bflag:$0x3] =	sbarrier.arrive $0xFFFF;
	s2 =	simm.s32 @!p0 $0x1C04  }
0xdb: {  	[timem:s3], [sflag:s2] =	dma.local @!p0 [hbm:s0], s1  }
0xdc: {  	s0 =	simm.s32 @!p0 $0x4  }
0xdd: {  	_ =	swait.ge @!p0 [sflag:s0], s1  }
0xde: {  	s1 =	ssub.s32 @!p0 $0x0, s1;
	[sflag:s0] =	ssyncset.done @!p0 $0x0  }
0xdf: {  	[sflag:s0] =	ssyncadd.s32 @!p0 s1  }
0xe0: {  	[bflag:$0x3] =	sbarrier.arrive $0xFFFF  }
0xe1: {  	_ =	shalt  }

// kernel: kernel.14.cloned.1.call-start
scs
__scs_entry_jumppad:
0x0: {  	(pc) =	sbr.rel $0x88, $3  }
0x1: {  	(tag) =	ssettag $0x0;
	lr =	simm.s32 $0x1  }
0x2: {  	[smem:$0x3F97] =	sst lr;
	_ =	strace $0xD0000000  }
0x3: {  	_ = 	snop  }
0x4: {  	_ = 	snop  }
0x5: {  	_ = 	snop  }
0x6: {  	_ = 	snop  }
0x7: {  	_ = 	snop  }
__scs_overlays_trampoline_lowered:
0x8: {  	[smem:$0x3FA6] =	sst s0  }
0x9: {  	[smem:$0x3FA7] =	sst s1  }
0xa: {  	[smem:$0x3FA8] =	sst s2  }
0xb: {  	[smem:$0x3FA9] =	sst s3  }
0xc: {  	[smem:$0x3FAA] =	sst s4  }
0xd: {  	[smem:$0x3FAB] =	sst s5  }
0xe: {  	[smem:$0x3FAC] =	sst s6  }
0xf: {  	[smem:$0x3FAD] =	sst s7  }
0x10: {  	[smem:$0x3FAE] =	sst s8  }
0x11: {  	[smem:$0x3FAF] =	sst s9;
	s0 =	simm.s32 @!p0 $0x0  }
0x12: {  	s1 =	sld [smem:$0x3F95];
	s0 =	simm.s32 @p0 $0x1  }
0x13: {  	[smem:$0x3FB0] =	sst s0;
	s0 =	simm.s32 @!p1 $0x0  }
0x14: {  	s2 =	sld [smem:$0x3F94];
	s0 =	simm.s32 @p1 $0x1  }
0x15: {  	[smem:$0x3FB1] =	sst s0;
	s0 =	simm.s32 @!p2 $0x0  }
0x16: {  	s3 =	sld [smem:$0x3FDB];
	s0 =	simm.s32 @p2 $0x1  }
0x17: {  	s4 =	simm.s32 $0x1BF5;
	[smem:$0x3FB3] =	sst s0  }
0x18: {  	s0 =	sld [smem:$0x3F96];
	_ =	swait.ge [sflag:s4], $0x0  }
0x19: {  	s7 =	sld [smem:$0x3F97]  }
0x1a: {  	s8 =	sadd.s32 $0xFFFFE003, lr  }
0x1b: {  	s9 =	sadd.s32 $0xFFFFFEF7, lr;
	s5 =	simm.s32 $0xFFFFFFFF;
	p2 =	slt.u32 s8, $0xFFFFF086  }
0x1c: {  	p1 =	slt.u32 s9, $0xF7A;
	s5 =	simm.s32 @!p2 $0x0  }
0x1d: {  	s5 =	simm.s32 @p1 $0x1;
	p0 =	seq.s32 s7, s2  }
0x1e: {  	s7 =	smul.u32 @!p0 $0xF7A, s2;
	p2 =	seq.s32 @!p0 s5, $0x0  }
0x1f: {  	s9 =	smul.u32 $0xF7A, s1;
	s8 =	simm.s32 @!p0 $0x1BF5;
	p2 =	por !p2, p0  }
0x20: {  	[sflag:s8] =	ssyncset.s32 @!p0 $0xFFFFF086;
	s6 =	sadd.s32 @!p0 s3, s7;
	s7 =	simm.s32 @!p0 $0x108  }
0x21: {  	s3 =	sadd.s32 s3, s9;
	s6 =	sadd.s32 @!p0 $0x88, s6;
	s7 =	simm.s32 @p2 $0x1082  }
0x22: {  	[simem:s7], [sflag:s8] =	dma.local @!p0 [hbm:s6], $0xF7A  }
0x23: {  	s9 =	sor.u32 $0xD0000000, s2;
	s6 =	simm.s32 $0x108;
	_ =	swait.ge @!p0 [sflag:s8], $0x0  }
0x24: {  	s3 =	sadd.s32 $0x88, s3;
	s6 =	simm.s32 @!p1 $0x1082;
	[sflag:s4] =	ssyncset.s32 $0xFFFFF086  }
0x25: {  	[simem:s6], [sflag:s4] =	dma.local [hbm:s3], $0xF7A  }
0x26: {  	[smem:$0x3F97] =	sst s1;
	(tag) =	ssettag s2;
	_ =	strace s9  }
0x27: {  	s1 =	sld [smem:$0x3FA7]  }
0x28: {  	s2 =	sld [smem:$0x3FA8]  }
0x29: {  	s4 =	sld [smem:$0x3FAA]  }
0x2a: {  	p0 =	seq.s32 s5, $0x0;
	s5 =	sld [smem:$0x3FAB]  }
0x2b: {  	s6 =	sld [smem:$0x3FAC]  }
0x2c: {  	s7 =	sld [smem:$0x3FAD]  }
0x2d: {  	s3 =	simm.s32 $0x108;
	s8 =	sld [smem:$0x3FAE]  }
0x2e: {  	s3 =	simm.s32 @!p0 $0x1082;
	s9 =	sld [smem:$0x3FAF]  }
0x2f: {  	lr =	sadd.s32 s0, s3;
	s0 =	sld [smem:$0x3FA6]  }
0x30: {  	s3 =	sld [smem:$0x3FA9]  }
0x31: {  	[smem:$0x3FB2] =	sst s10  }
0x32: {  	s10 =	sld [smem:$0x3FB0];
	_ =	sdelay $0x3  }
0x33: {  	p0 =	seq.s32 s10, $0x1;
	s10 =	sld [smem:$0x3FB2];
	_ =	sdelay $0x3  }
0x34: {  	[smem:$0x3FB2] =	sst s10  }
0x35: {  	s10 =	sld [smem:$0x3FB1];
	_ =	sdelay $0x3  }
0x36: {  	p1 =	seq.s32 s10, $0x1;
	s10 =	sld [smem:$0x3FB2];
	_ =	sdelay $0x3  }
0x37: {  	[smem:$0x3FB2] =	sst s10  }
0x38: {  	s10 =	sld [smem:$0x3FB3]  }
0x39: {  	_ = 	snop;
	(pc) =	sbr.ind lr, $3  }
0x3a: {  	_ = 	snop  }
0x3b: {  	_ = 	snop  }
0x3c: {  	p2 =	seq.s32 s10, $0x1;
	s10 =	sld [smem:$0x3FB2]  }
0x3d: {  	_ =	shalt  }
0x3e: {  	_ =	shalt  }
0x3f: {  	_ =	shalt  }
0x40: {  	_ =	shalt  }
0x41: {  	_ =	shalt  }
0x42: {  	_ =	shalt  }
0x43: {  	_ =	shalt  }
0x44: {  	_ =	shalt  }
0x45: {  	_ =	shalt  }
0x46: {  	_ =	shalt  }
0x47: {  	_ =	shalt  }
0x48: {  	_ =	shalt  }
0x49: {  	_ =	shalt  }
0x4a: {  	_ =	shalt  }
0x4b: {  	_ =	shalt  }
0x4c: {  	_ =	shalt  }
0x4d: {  	_ =	shalt  }
0x4e: {  	_ =	shalt  }
0x4f: {  	_ =	shalt  }
0x50: {  	_ =	shalt  }
0x51: {  	_ =	shalt  }
0x52: {  	_ =	shalt  }
0x53: {  	_ =	shalt  }
0x54: {  	_ =	shalt  }
0x55: {  	_ =	shalt  }
0x56: {  	_ =	shalt  }
0x57: {  	_ =	shalt  }
0x58: {  	_ =	shalt  }
0x59: {  	_ =	shalt  }
0x5a: {  	_ =	shalt  }
0x5b: {  	_ =	shalt  }
0x5c: {  	_ =	shalt  }
0x5d: {  	_ =	shalt  }
0x5e: {  	_ =	shalt  }
0x5f: {  	_ =	shalt  }
0x60: {  	_ =	shalt  }
0x61: {  	_ =	shalt  }
0x62: {  	_ =	shalt  }
0x63: {  	_ =	shalt  }
0x64: {  	_ =	shalt  }
0x65: {  	_ =	shalt  }
0x66: {  	_ =	shalt  }
0x67: {  	_ =	shalt  }
0x68: {  	_ =	shalt  }
0x69: {  	_ =	shalt  }
0x6a: {  	_ =	shalt  }
0x6b: {  	_ =	shalt  }
0x6c: {  	_ =	shalt  }
0x6d: {  	_ =	shalt  }
0x6e: {  	_ =	shalt  }
0x6f: {  	_ =	shalt  }
0x70: {  	_ =	shalt  }
0x71: {  	_ =	shalt  }
0x72: {  	_ =	shalt  }
0x73: {  	_ =	shalt  }
0x74: {  	_ =	shalt  }
0x75: {  	_ =	shalt  }
0x76: {  	_ =	shalt  }
0x77: {  	_ =	shalt  }
0x78: {  	_ =	shalt  }
0x79: {  	_ =	shalt  }
0x7a: {  	_ =	shalt  }
0x7b: {  	_ =	shalt  }
0x7c: {  	_ =	shalt  }
0x7d: {  	_ =	shalt  }
0x7e: {  	_ =	shalt  }
0x7f: {  	_ =	shalt  }
0x80: {  	_ =	shalt  }
0x81: {  	_ =	shalt  }
0x82: {  	_ =	shalt  }
0x83: {  	_ =	shalt  }
0x84: {  	_ =	shalt  }
0x85: {  	_ =	shalt  }
0x86: {  	_ =	shalt  }
0x87: {  	_ =	shalt  }
.Lfunc_end0:
.L_simem_size_0:
called_computation.2_lowered:
.L_overlay_start_0:
0x88: {  	s2 =	sld [smem:$0x3FD9]  }
0x89: {  	s3 =	sld [smem:$0x3FFE];
	_ =	sdelay $0x1  }
0x8a: {  	s1 =	srdreg.scid  }
0x8b: {  	s0 =	sand.u32 $0x1, s1  }
0x8c: {  	s17 =	sshll.u32 s0, $0xA;
	s2 =	sadd.s32 s3, s2  }
0x8d: {  	s2 =	sadd.s32 s2, s17  }
0x8e: {  	[smem:$0x3FBE] =	sst s2  }
0x8f: {  	_ = 	snop  }
0x90: {  	s2 =	sld [smem:$0x3FD0];
	(tm) =	ssettm $0x1  }
0x91: {  	s18 =	sld [smem:$0x3FFB];
	_ =	sdelay $0x3  }
0x92: {  	_ =	strace s18  }
0x93: {  	s3 =	sld [smem:$0x3FFC];
	_ =	sdelay $0x3  }
0x94: {  	_ =	strace s3  }
0x95: {  	s3 =	sld [smem:$0x3FFD];
	_ =	sdelay $0x3  }
0x96: {  	_ =	strace s3  }
0x97: {  	_ =	strace $0x8FFFFFFF  }
0x98: {  	s19 =	sld [smem:$0x3FDB];
	_ =	sdelay $0x1  }
0x99: {  	s4 =	simm.s32 $_scs_section_size  }
0x9a: {  	s5 =	simm.s32 $_size__tile_overlayer_lowered;
	s6 =	simm.s32 $_tile_overlayer_lowered  }
0x9b: {  	s22 =	simm.s32 $0x1BFF;
	s21 =	sshll.u32 s6, $0x1;
	s3 =	sadd.s32 s4, s19  }
0x9c: {  	s7 =	simm.s32 $0x0;
	s20 =	sshll.u32 s5, $0x1;
	s5 =	sadd.s32 s21, s3  }
0x9d: {  	[timem:s7], [sflag:s22] =	dma.local [hbm:s5], s20  }
0x9e: {  	_ =	swait.ge [sflag:s22], s20  }
0x9f: {  	s4 =	ssub.s32 $0x0, s20;
	[sflag:s22] =	ssyncset.done $0x0  }
0xa0: {  	[sflag:s22] =	ssyncadd.s32 s4;
	_ =	sdelay $0x1  }
0xa1: {  	s23 =	simm.s32 $0x1B8B  }
0xa2: {  	_ =	swait.ge [sflag:s23], $0x1  }
0xa3: {  	[sflag:s23] =	ssyncset.done $0x0  }
0xa4: {  	s25 =	simm.s32 $0x1B8E;
	s24 =	sld [smem:$0x3FFE];
	[sflag:s23] =	ssyncadd.s32 $0xFFFFFFFF  }
0xa5: {  	s26 =	simm.s32 $execute0_lowered;
	[smem:$0x3FD2] =	sst s25  }
0xa6: {  	s5 =	sshll.u32 s26, $0x1;
	_ =	strace $0x8000004C;
	[dreg:$0x1] =	wrdreg $0xFFFFFFFF  }
0xa7: {  	s28 =	simm.s32 $_size_execute0_lowered;
	s3 =	sadd.s32 s3, s5;
	[dreg:$0x0] =	wrdreg $0x0  }
0xa8: {  	s5 =	sshll.u32 s28, $0x1;
	[dreg:$0x2] =	wrdreg s3  }
0xa9: {  	[dreg:$0x3] =	wrdreg s5  }
0xaa: {  	[dreg:$0x4] =	wrdreg $0xC0  }
0xab: {  	_ =	task [dreg:s7], $0x5FFFF  }
0xac: {  	[dreg:$0x1] =	wrdreg $0xFFFFFFFF  }
0xad: {  	[dreg:$0x0] =	wrdreg $0x60  }
0xae: {  	[dreg:$0x2] =	wrdreg s24  }
0xaf: {  	[dreg:$0x3] =	wrdreg s2  }
0xb0: {  	[dreg:$0x4] =	wrdreg $0xBC800  }
0xb1: {  	[dreg:$0x5] =	wrdreg $0x9  }
0xb2: {  	_ =	task.clear_ibuf [dreg:s7], $0x6FFFF;
	_ =	strace $0x9000004C  }
0xb3: {  	s29 =	simm.s32 $0x9;
	_ =	strace $0x8000004E  }
0xb4: {  	_ =	swait.ge [sflag:s29], $0x1  }
0xb5: {  	[sflag:s29] =	ssyncadd.s32 $0xFFFFFFFF  }
0xb6: {  	_ =	strace $0x9000004E  }
0xb7: {  	_ =	sfence  }
0xb8: {  	s30 =	sld [smem:$0x0];
	_ =	sdelay $0x2  }
0xb9: {  	s31 =	sshll.u32 s1, $0xD;
	s1 =	sshrl.u32 s1, $0x2  }
0xba: {  	s3 =	sand.u32 $0x4000, s31;
	s1 =	sadd.s32 s1, s30  }
0xbb: {  	s0 =	sor.u32 s3, s0;
	s1 =	sshll.u32 s1, $0x11  }
0xbc: {  	s0 =	sor.u32 s1, s0  }
0xbd: {  	s0 =	sadd.s32 $0x8F2B, s0  }
0xbe: {  	[sflag:s0] =	ssyncadd.remote.s32 $0x1  }
0xbf: {  	_ =	sfence.sel $0xFFFF  }
0xc0: {  	[dreg:$0x0] =	wrdreg $0xFFFFFFFF;
	(pc) =	sbr.abs _section_cstart, $3  }
0xc1: {  	[dreg:$0x1] =	wrdreg $0xFFFFFFFF  }
0xc2: {  	_ =	task.clear_ibuf [dreg:s7], $0x2FFFF;
	_ =	strace $0x9FFFFFFF  }
0xc3: {  	(tm) =	ssettm $0x7FFFFFFF  }
tec
execute0_lowered:
.L_overlay_start_1:
0x0: {  	(tag) =	ssettag $0x1  }
0x1: {  	s0 =	rddreg [dreg:$0x0]  }
0x2: {  	s1 =	srdreg.scid;
	s2 =	rddreg [dreg:$0x1]  }
0x3: {  	s3 =	rddreg [dreg:$0x2];
	s16 =	stileid.u32  }
0x4: {  	s4 =	simm.s32 $0x0;
	s28 =	simm.s32 $0x2800;
	s1 =	sand.u32 $0x1, s1  }
0x5: {  	[smem:$0x7FF] =	sst s4;
	s6 =	sadd.s32 $0xC800, s0;
	s11 =	smul.u32 $0x7, s16  }
0x6: {  	s18 =	smul.u32 $0x14000, s16;
	s5 =	sshll.u32 s1, $0x4;
	_ =	strace $0x8000004D  }
0x7: {  	s8 =	ssub.s32 $0x2, s1;
	s1 =	smul.u32 $0x140000, s1;
	s5 =	sor.u32 s16, s5  }
0x8: {  	s10 =	sshrl.u32 s8, $0x1;
	s30 =	sadd.s32 $0x2710, s11;
	s12 =	sadd.s32 $0x4000, s18  }
0x9: {  	s13 =	sadd.s32 $0x2730, s11;
	s29 =	sadd.s32 $0x2740, s11;
	s16 =	smul.u32 $0x50000, s16  }
0xa: {  	s21 =	sadd.s32 $0x8000, s18;
	s17 =	sadd.s32 $0xC000, s18;
	s31 =	sadd.s32 $0x2760, s11  }
0xb: {  	s5 =	smul.u32 $0x2800, s5;
	s8 =	ssub.s32 s8, s10;
	s14 =	sadd.s32 s1, s18  }
0xc: {  	v7 =	vlaneseq.u32;
	s15 =	sadd.s32 s1, s12;
	s10 =	sadd.s32 $0x10000, s18;
	s24 =	sadd.s32 s1, s21  }
0xd: {  	s18 =	sadd.s32 s1, s17;
	s23 =	sadd.s32 s12, s3;
	v0 =	vadd.s32 s30, v7;
	s30 =	simm.s32 $0x7C00  }
0xe: {  	v3 =	vadd.s32 s29, v7;
	s29 =	simm.s32 $0x2;
	v5 =	vadd.s32 s31, v7;
	s31 =	simm.s32 $0x3;
	s14 =	sshrl.u32 s14, $0x3  }
0xf: {  	s15 =	sshrl.u32 s15, $0x3;
	s1 =	sadd.s32 s1, s10;
	s18 =	sshrl.u32 s18, $0x3  }
0x10: {  	s22 =	smax.u32 s8, $0x1;
	s10 =	sadd.s32 s10, s3;
	s7 =	sshrl.u32 s5, $0x3  }
0x11: {  	s1 =	sshrl.u32 s1, $0x3;
	[dreg:$0xb] =	wrdreg s22;
	s9 =	sadd.s32 s7, s0  }
0x12: {  	s0 =	sadd.s32 $0x34800, s0;
	s7 =	sadd.s32 s2, s7;
	s9 =	sadd.s32 $0x2800, s9  }
0x13: {  	[dreg:$0x5] =	wrdreg s7;
	s19 =	sadd.s32 s0, s14;
	s20 =	sadd.s32 s0, s15  }
0x14: {  	s14 =	sshrl.u32 s24, $0x3;
	s26 =	sadd.s32 s0, s18;
	[dreg:$0x4] =	wrdreg s9  }
0x15: {  	s7 =	sadd.s32 $0x2750, s11;
	s24 =	sadd.s32 s21, s3;
	[dreg:$0x6] =	wrdreg s19  }
0x16: {  	s9 =	sadd.s32 $0x2720, s11;
	[dreg:$0x7] =	wrdreg s20;
	s25 =	sadd.s32 s0, s14  }
0x17: {  	[dreg:$0x9] =	wrdreg s26;
	s0 =	sadd.s32 s0, s1;
	s14 =	sshrl.u32 s16, $0x2  }
0x18: {  	s16 =	sadd.s32 $0x2770, s11;
	s11 =	sor.u32 $0x2780, s11;
	[dreg:$0x8] =	wrdreg s25  }
0x19: {  	s1 =	sshrl.u32 s23, $0x3;
	s26 =	sshrl.u32 s24, $0x3;
	[dreg:$0xa] =	wrdreg s0  }
0x1a: {  	s19 =	sshrl.u32 s10, $0x3;
	s24 =	simm.s32 $0x4;
	[dreg:$0xc] =	wrdreg s1  }
0x1b: {  	s14 =	sadd.s32 s14, s3;
	s25 =	sadd.s32 s17, s3;
	[dreg:$0xd] =	wrdreg s26  }
0x1c: {  	s26 =	simm.s32 $0x3C00;
	s1 =	simm.s32 $0x1;
	s0 =	simm.s32 $0x0  }
0x1d: {  	v2 =	vadd.s32 s13, v7;
	v4 =	vadd.s32 s7, v7;
	s18 =	sshrl.u32 s25, $0x3;
	s20 =	sadd.s32 $0x4000, s14;
	s21 =	sadd.s32 $0x8000, s14  }
0x1e: {  	v1 =	vadd.s32 s9, v7;
	v6 =	vadd.s32 s16, v7;
	v7 =	vadd.s32 s11, v7;
	s22 =	sadd.s32 $0xC000, s14;
	s23 =	sadd.s32 $0x10000, s14;
	s25 =	simm.s32 $0x80  }
.LBB2_1:
0x1f: {  	s7 =	rddreg [dreg:$0x4]  }
0x20: {  	[tilespmem:s4], [sflag:$0x4] =	stream.linear.gather [hbm4b:s7+s4], $0x2800, $0x38;
	[tilespmem:$0x1FC80] =	vst v63  }
0x21: {  	_ =	swait.ge [sflag:s24], $0x2800  }
0x22: {  	[sflag:s24] =	ssyncset.done $0x0  }
0x23: {  	[sflag:s24] =	ssyncadd.s32 $0xFFFFD800  }
0x24: {  	[tilespmem:s26], [sflag:$0x1] =	stream.indirect.gather [hbm4b:s6+s25], $0x80, s4, s25, $0xb8;
	[tilespmem:$0x1FC80] =	vst v63  }
0x25: {  	s12 =	rddreg [dreg:$0x5]  }
0x26: {  	[tilespmem:s28], [sflag:$0x4] =	stream.linear.gather [hbm4b:s12+s4], $0x1400, $0x38;
	[tilespmem:$0x1FC80] =	vst v63  }
0x27: {  	_ =	swait.ge [sflag:s24], $0x1400  }
0x28: {  	[sflag:s24] =	ssyncset.done $0x0  }
0x29: {  	[sflag:s24] =	ssyncadd.s32 $0xFFFFEC00  }
0x2a: {  	[tilespmem:$0xBC00] =	vst v0  }
0x2b: {  	[tilespmem:$0xBC10] =	vst v1  }
0x2c: {  	[tilespmem:$0xBC20] =	vst v2  }
0x2d: {  	[tilespmem:$0xBC30] =	vst v3  }
0x2e: {  	[tilespmem:$0xBC40] =	vst v4  }
0x2f: {  	[tilespmem:$0xBC50] =	vst v5  }
0x30: {  	[tilespmem:$0xBC60] =	vst v6  }
0x31: {  	s13 =	simm.s32 $0xBC00;
	[tilespmem:$0xBC70] =	vst v7  }
0x32: {  	[tilespmem:s30], [sflag:$0x4] =	stream.indirect.gather [hbm4b:s6+s25], $0x80, s13, s25, $0xb8;
	[tilespmem:$0x1FC80] =	vst v63  }
0x33: {  	_ =	swait.ge [sflag:s24], $0x4000  }
0x34: {  	[sflag:s24] =	ssyncset.done $0x0  }
0x35: {  	[sflag:s24] =	ssyncadd.s32 $0xFFFFC000  }
0x36: {  	[spmem:s14] =	stream.linear.scatter [tilespmem:s30], [sflag:$0x4], $0x4000, $0x38;
	[tilespmem:$0x1FC80] =	vst v63  }
0x37: {  	_ =	swait.ge [sflag:s24], $0x4000  }
0x38: {  	[sflag:s24] =	ssyncset.done $0x0  }
0x39: {  	[sflag:s24] =	ssyncadd.s32 $0xFFFFC000  }
0x3a: {  	[spmem:s20] =	stream.linear.scatter [tilespmem:s30], [sflag:$0x4], $0x4000, $0x38;
	[tilespmem:$0x1FC80] =	vst v63  }
0x3b: {  	_ =	swait.ge [sflag:s24], $0x4000  }
0x3c: {  	[sflag:s24] =	ssyncset.done $0x0  }
0x3d: {  	[sflag:s24] =	ssyncadd.s32 $0xFFFFC000  }
0x3e: {  	[spmem:s21] =	stream.linear.scatter [tilespmem:s30], [sflag:$0x4], $0x4000, $0x38;
	[tilespmem:$0x1FC80] =	vst v63  }
0x3f: {  	_ =	swait.ge [sflag:s24], $0x4000  }
0x40: {  	[sflag:s24] =	ssyncset.done $0x0  }
0x41: {  	[sflag:s24] =	ssyncadd.s32 $0xFFFFC000  }
0x42: {  	[spmem:s22] =	stream.linear.scatter [tilespmem:s30], [sflag:$0x4], $0x4000, $0x38;
	[tilespmem:$0x1FC80] =	vst v63  }
0x43: {  	_ =	swait.ge [sflag:s24], $0x4000  }
0x44: {  	[sflag:s24] =	ssyncset.done $0x0  }
0x45: {  	[sflag:s24] =	ssyncadd.s32 $0xFFFFC000  }
0x46: {  	[spmem:s23] =	stream.linear.scatter [tilespmem:s30], [sflag:$0x4], $0x4000, $0x38;
	[tilespmem:$0x1FC80] =	vst v63  }
0x47: {  	_ =	swait.ge [sflag:s24], $0x4000  }
0x48: {  	[sflag:s24] =	ssyncset.done $0x0  }
0x49: {  	[sflag:s24] =	ssyncadd.s32 $0xFFFFC000  }
0x4a: {  	[bflag:$0x0] =	sbarrier.arrive $0xFFFF  }
0x4b: {  	[tilespmem:s30], [sflag:$0x2] =	stream.indirect.gather [hbm4b:s6+s25], $0x80, s25, s25, $0xb8;
	[tilespmem:$0x1FC80] =	vst v63  }
0x4c: {  	_ =	swait.ge [sflag:s1], $0x4000  }
0x4d: {  	[sflag:s1] =	ssyncset.done $0x0  }
0x4e: {  	[sflag:s1] =	ssyncadd.s32 $0xFFFFC000  }
0x4f: {  	[spmem:s3] =	stream.indirect.scatter.add.f32 [tilespmem:s26], [sflag:$0x4], $0x80, s28, s25, $0xb8;
	[tilespmem:$0x1FC80] =	vst v63  }
0x50: {  	_ =	swait.ge [sflag:s24], $0x4000  }
0x51: {  	[sflag:s24] =	ssyncset.done $0x0  }
0x52: {  	s7 =	simm.s32 $0x100;
	[sflag:s24] =	ssyncadd.s32 $0xFFFFC000  }
0x53: {  	[tilespmem:s26], [sflag:$0x1] =	stream.indirect.gather [hbm4b:s6+s25], $0x80, s7, s25, $0xb8;
	[tilespmem:$0x1FC80] =	vst v63  }
0x54: {  	_ =	swait.ge [sflag:s29], $0x4000  }
0x55: {  	[sflag:s29] =	ssyncset.done $0x0  }
0x56: {  	s8 =	simm.s32 $0x2880;
	[sflag:s29] =	ssyncadd.s32 $0xFFFFC000  }
0x57: {  	[spmem:s3] =	stream.indirect.scatter.add.f32 [tilespmem:s30], [sflag:$0x4], $0x80, s8, s25, $0xb8;
	[tilespmem:$0x1FC80] =	vst v63  }
0x58: {  	p0 =	por $0x1, $0x1;
	s8 =	simm.s32 $0xFFFFFFDA  }
0x59: {  	_ =	swait.ge [sflag:s24], $0x4000;
	s8 =	smov.u32 @p0 s29  }
0x5a: {  	[sflag:s24] =	ssyncset.done $0x0;
	p0 =	sne.s32 s8, $0x0  }
0x5b: {  	s15 =	simm.s32 $0x180;
	[sflag:s24] =	ssyncadd.s32 $0xFFFFC000;
	s9 =	sand.u32 @!p0 $0x3C00, s7  }
0x5c: {  	[tilespmem:s30], [sflag:$0x2] =	stream.indirect.gather [hbm4b:s6+s25], $0x80, s15, s25, $0xb8;
	[tilespmem:$0x1FC80] =	vst v63  }
0x5d: {  	s7 =	sand.u32 @!p0 $0x300, s7;
	s9 =	sadd.s32 @!p0 s5, s9  }
0x5e: {  	s7 =	sor.u32 @!p0 s7, s9  }
0x5f: {  	s10 =	simm.s32 @!p0 $0x0;
	s7 =	sshrl.u32 @!p0 s7, $0x3  }
0x60: {  	s11 =	simm.s32 @!p0 $0x2800;
	s9 =	simm.s32 @!p0 $0x4;
	s7 =	sadd.s32 @!p0 s2, s7  }
0x61: {  	[tilespmem:s11], [sflag:$0x4] =	stream.linear.gather @!p0 [hbm4b:s7+s10], $0x1400, $0x38;
	[tilespmem:$0x1FC80] =	vst v63  }
0x62: {  	_ =	swait.ge @!p0 [sflag:s9], $0x1400  }
0x63: {  	[sflag:s9] =	ssyncset.done @!p0 $0x0  }
0x64: {  	[sflag:s9] =	ssyncadd.s32 @!p0 $0xFFFFEC00  }
0x65: {  	s16 =	sshll.u32 s8, $0x7;
	_ =	swait.ge [sflag:s1], $0x4000  }
0x66: {  	s7 =	sand.u32 $0x3FFFFF80, s16;
	[sflag:s1] =	ssyncset.done $0x0  }
0x67: {  	s17 =	sadd.s32 $0x2800, s7;
	[sflag:s1] =	ssyncadd.s32 $0xFFFFC000  }
0x68: {  	[spmem:s3] =	stream.indirect.scatter.add.f32 [tilespmem:s26], [sflag:$0x4], $0x80, s17, s25, $0xb8;
	[tilespmem:$0x1FC80] =	vst v63  }
0x69: {  	s12 =	simm.s32 $0x200;
	_ =	swait.ge [sflag:s24], $0x4000  }
0x6a: {  	s8 =	simm.s32 $0x3;
	s10 =	simm.s32 $0x200;
	[sflag:s24] =	ssyncset.done $0x0  }
0x6b: {  	s11 =	simm.s32 $0x4;
	s7 =	sadd.s32 $0x2880, s7;
	[sflag:s24] =	ssyncadd.s32 $0xFFFFC000  }
0x6c: {  	[tilespmem:s26], [sflag:$0x1] =	stream.indirect.gather [hbm4b:s6+s25], $0x80, s12, s25, $0xb8;
	[tilespmem:$0x1FC80] =	vst v63  }
0x6d: {  	p0 =	por $0x1, $0x1;
	s12 =	simm.s32 $0xFFFFFFDC;
	_ =	swait.ge [sflag:s29], $0x4000  }
0x6e: {  	s9 =	simm.s32 $0x280;
	s12 =	smov.u32 @p0 s11;
	[sflag:s29] =	ssyncset.done $0x0  }
0x6f: {  	p0 =	sne.s32 s12, $0x0;
	s12 =	sshll.u32 s12, $0x7;
	[sflag:s29] =	ssyncadd.s32 $0xFFFFC000  }
0x70: {  	s13 =	sand.u32 @!p0 $0x3C00, s10;
	s12 =	sand.u32 $0x3FFFFF80, s12;
	s15 =	sand.u32 @!p0 $0x300, s10  }
0x71: {  	[spmem:s3] =	stream.indirect.scatter.add.f32 [tilespmem:s30], [sflag:$0x4], $0x80, s7, s25, $0xb8;
	[tilespmem:$0x1FC80] =	vst v63  }
0x72: {  	s7 =	simm.s32 $0x380;
	s13 =	sadd.s32 @!p0 s5, s13;
	_ =	swait.ge [sflag:s24], $0x4000  }
.LBB2_2:
0x73: {  	s13 =	sor.u32 @!p0 s15, s13  }
0x74: {  	[sflag:s24] =	ssyncset.done $0x0;
	s15 =	smov.u32 s8;
	s8 =	sadd.s32 $0x1, s8  }
0x75: {  	s16 =	simm.s32 @!p0 $0x4;
	s13 =	sshrl.u32 @!p0 s13, $0x3;
	[sflag:s24] =	ssyncadd.s32 $0xFFFFC000  }
0x76: {  	[tilespmem:s30], [sflag:$0x2] =	stream.indirect.gather [hbm4b:s6+s25], $0x80, s9, s25, $0xb8;
	[tilespmem:$0x1FC80] =	vst v63  }
0x77: {  	s17 =	simm.s32 @!p0 $0x2800;
	s9 =	sadd.s32 @!p0 s2, s13;
	s13 =	simm.s32 @!p0 $0x0  }
0x78: {  	[tilespmem:s17], [sflag:$0x4] =	stream.linear.gather @!p0 [hbm4b:s9+s13], $0x1400, $0x38;
	[tilespmem:$0x1FC80] =	vst v63  }
0x79: {  	p1 =	sne.s32 s8, $0x27;
	s9 =	smov.u32 s7;
	_ =	swait.ge @!p0 [sflag:s16], $0x1400  }
0x7a: {  	[sflag:s16] =	ssyncset.done @!p0 $0x0  }
0x7b: {  	[sflag:s16] =	ssyncadd.s32 @!p0 $0xFFFFEC00  }
0x7c: {  	_ =	swait.ge [sflag:s1], $0x4000  }
0x7d: {  	[sflag:s1] =	ssyncset.done $0x0  }
0x7e: {  	s13 =	sadd.s32 $0x2800, s12;
	s7 =	sadd.s32 $0x100, s7;
	[sflag:s1] =	ssyncadd.s32 $0xFFFFC000  }
0x7f: {  	[spmem:s3] =	stream.indirect.scatter.add.f32 [tilespmem:s26], [sflag:$0x4], $0x80, s13, s25, $0xb8;
	[tilespmem:$0x1FC80] =	vst v63  }
0x80: {  	s10 =	sadd.s32 $0x100, s10;
	s13 =	sadd.s32 $0xFFFFFF80, s9;
	_ =	swait.ge [sflag:s24], $0x4000  }
0x81: {  	s11 =	sadd.s32 $0x2, s11;
	s16 =	sadd.s32 $0x2880, s12;
	[sflag:s24] =	ssyncset.done $0x0  }
0x82: {  	s12 =	sadd.s32 $0xFFFFFFD8, s11;
	p0 =	slt.u32 s15, $0x14;
	[sflag:s24] =	ssyncadd.s32 $0xFFFFC000  }
0x83: {  	[tilespmem:s26], [sflag:$0x1] =	stream.indirect.gather [hbm4b:s6+s25], $0x80, s13, s25, $0xb8;
	[tilespmem:$0x1FC80] =	vst v63  }
.Ltmp0:
0x84: {  	s12 =	smov.u32 @p0 s11;
	_ =	swait.ge [sflag:s29], $0x4000;
	(pc) =	sbr.rel @p1 .LBB2_2-.Ltmp0, $4  }
0x85: {  	p0 =	sne.s32 s12, $0x0;
	s12 =	sshll.u32 s12, $0x7;
	[sflag:s29] =	ssyncset.done $0x0  }
0x86: {  	s12 =	sand.u32 $0x3FFFFF80, s12;
	s13 =	sand.u32 @!p0 $0x3C00, s10;
	[sflag:s29] =	ssyncadd.s32 $0xFFFFC000  }
0x87: {  	[spmem:s3] =	stream.indirect.scatter.add.f32 [tilespmem:s30], [sflag:$0x4], $0x80, s16, s25, $0xb8;
	[tilespmem:$0x1FC80] =	vst v63  }
0x88: {  	s15 =	sand.u32 @!p0 $0x300, s10;
	s13 =	sadd.s32 @!p0 s5, s13;
	_ =	swait.ge [sflag:s24], $0x4000  }
0x89: {  	s8 =	sor.u32 @!p0 s15, s13;
	[sflag:s24] =	ssyncset.done $0x0  }
0x8a: {  	s8 =	sshrl.u32 @!p0 s8, $0x3;
	[sflag:s24] =	ssyncadd.s32 $0xFFFFC000  }
0x8b: {  	[tilespmem:s30], [sflag:$0x2] =	stream.indirect.gather [hbm4b:s6+s25], $0x80, s9, s25, $0xb8;
	[tilespmem:$0x1FC80] =	vst v63  }
0x8c: {  	s10 =	simm.s32 @!p0 $0x2800;
	s8 =	sadd.s32 @!p0 s2, s8;
	s9 =	simm.s32 @!p0 $0x0  }
0x8d: {  	[tilespmem:s10], [sflag:$0x4] =	stream.linear.gather @!p0 [hbm4b:s8+s9], $0x1400, $0x38;
	[tilespmem:$0x1FC80] =	vst v63  }
0x8e: {  	s8 =	simm.s32 @!p0 $0x4  }
0x8f: {  	_ =	swait.ge @!p0 [sflag:s8], $0x1400  }
0x90: {  	[sflag:s8] =	ssyncset.done @!p0 $0x0  }
0x91: {  	[sflag:s8] =	ssyncadd.s32 @!p0 $0xFFFFEC00  }
0x92: {  	_ =	swait.ge [sflag:s1], $0x4000  }
0x93: {  	[sflag:s1] =	ssyncset.done $0x0  }
0x94: {  	s17 =	sadd.s32 $0x2800, s12;
	[sflag:s1] =	ssyncadd.s32 $0xFFFFC000  }
0x95: {  	[spmem:s3] =	stream.indirect.scatter.add.f32 [tilespmem:s26], [sflag:$0x4], $0x80, s17, s25, $0xb8;
	[tilespmem:$0x1FC80] =	vst v63  }
0x96: {  	_ =	swait.ge [sflag:s24], $0x4000  }
0x97: {  	[sflag:s24] =	ssyncset.done $0x0  }
0x98: {  	s9 =	sadd.s32 $0xFFFFFF80, s7;
	[sflag:s24] =	ssyncadd.s32 $0xFFFFC000  }
0x99: {  	[tilespmem:s26], [sflag:$0x1] =	stream.indirect.gather [hbm4b:s6+s25], $0x80, s9, s25, $0xb8;
	[tilespmem:$0x1FC80] =	vst v63  }
0x9a: {  	_ =	swait.ge [sflag:s29], $0x4000  }
0x9b: {  	[sflag:s29] =	ssyncset.done $0x0  }
0x9c: {  	s10 =	sadd.s32 $0x2880, s12;
	[sflag:s29] =	ssyncadd.s32 $0xFFFFC000  }
0x9d: {  	[spmem:s3] =	stream.indirect.scatter.add.f32 [tilespmem:s30], [sflag:$0x4], $0x80, s10, s25, $0xb8;
	[tilespmem:$0x1FC80] =	vst v63  }
0x9e: {  	_ =	swait.ge [sflag:s24], $0x4000  }
0x9f: {  	[sflag:s24] =	ssyncset.done $0x0  }
0xa0: {  	[sflag:s24] =	ssyncadd.s32 $0xFFFFC000  }
0xa1: {  	[tilespmem:s30], [sflag:$0x2] =	stream.indirect.gather [hbm4b:s6+s25], $0x80, s7, s25, $0xb8;
	[tilespmem:$0x1FC80] =	vst v63  }
0xa2: {  	_ =	swait.ge [sflag:s1], $0x4000  }
0xa3: {  	[sflag:s1] =	ssyncset.done $0x0  }
0xa4: {  	s11 =	simm.s32 $0x3B00;
	[sflag:s1] =	ssyncadd.s32 $0xFFFFC000  }
0xa5: {  	[spmem:s3] =	stream.indirect.scatter.add.f32 [tilespmem:s26], [sflag:$0x4], $0x80, s11, s25, $0xb8;
	[tilespmem:$0x1FC80] =	vst v63  }
0xa6: {  	_ =	swait.ge [sflag:s24], $0x4000  }
0xa7: {  	[sflag:s24] =	ssyncset.done $0x0  }
0xa8: {  	[sflag:s24] =	ssyncadd.s32 $0xFFFFC000  }
0xa9: {  	_ =	swait.ge [sflag:s29], $0x4000  }
0xaa: {  	[sflag:s29] =	ssyncset.done $0x0  }
0xab: {  	s12 =	simm.s32 $0x3B80;
	[sflag:s29] =	ssyncadd.s32 $0xFFFFC000  }
0xac: {  	[spmem:s3] =	stream.indirect.scatter.add.f32 [tilespmem:s30], [sflag:$0x4], $0x80, s12, s25, $0xb8;
	[tilespmem:$0x1FC80] =	vst v63  }
0xad: {  	_ =	swait.ge [sflag:s24], $0x4000  }
0xae: {  	[sflag:s24] =	ssyncset.done $0x0  }
0xaf: {  	s13 =	stileid.u32;
	[sflag:s24] =	ssyncadd.s32 $0xFFFFC000  }
0xb0: {  	s7 =	sshll.u32 s13, $0x6;
	[bflag:$0x0] =	sbarrier.arrive $0xFFFF  }
0xb1: {  	s15 =	sshrl.u32 s14, $0x3;
	s7 =	sor.u32 $0x1C03, s7;
	s16 =	rddreg [dreg:$0x6]  }
0xb2: {  	[hbm:s16], [sflag:s7] =	dma.local [spmem:s15], $0x800  }
0xb3: {  	s8 =	rddreg [dreg:$0x7]  }
0xb4: {  	s9 =	rddreg [dreg:$0xc]  }
0xb5: {  	[hbm:s8], [sflag:s7] =	dma.local [spmem:s9], $0x800  }
0xb6: {  	s8 =	rddreg [dreg:$0x8]  }
0xb7: {  	s9 =	rddreg [dreg:$0xd]  }
0xb8: {  	[hbm:s8], [sflag:s7] =	dma.local [spmem:s9], $0x800  }
0xb9: {  	s8 =	rddreg [dreg:$0x9]  }
0xba: {  	[hbm:s8], [sflag:s7] =	dma.local [spmem:s18], $0x800  }
0xbb: {  	s8 =	rddreg [dreg:$0xa]  }
0xbc: {  	[hbm:s8], [sflag:s7] =	dma.local [spmem:s19], $0x800  }
0xbd: {  	_ =	swait.ge [sflag:s31], $0x800  }
0xbe: {  	[sflag:s31] =	ssyncset.done $0x0  }
0xbf: {  	[sflag:s31] =	ssyncadd.s32 $0xFFFFF800  }
0xc0: {  	_ =	swait.ge [sflag:s31], $0x800  }
0xc1: {  	[sflag:s31] =	ssyncset.done $0x0  }
0xc2: {  	[sflag:s31] =	ssyncadd.s32 $0xFFFFF800  }
0xc3: {  	_ =	swait.ge [sflag:s31], $0x800  }
0xc4: {  	[sflag:s31] =	ssyncset.done $0x0  }
0xc5: {  	[sflag:s31] =	ssyncadd.s32 $0xFFFFF800  }
0xc6: {  	_ =	swait.ge [sflag:s31], $0x800  }
0xc7: {  	[sflag:s31] =	ssyncset.done $0x0  }
0xc8: {  	[sflag:s31] =	ssyncadd.s32 $0xFFFFF800  }
0xc9: {  	_ =	swait.ge [sflag:s31], $0x800  }
0xca: {  	s0 =	sadd.s32 $0x1, s0;
	s17 =	rddreg [dreg:$0xb]  }
0xcb: {  	p0 =	sne.s32 s0, s17  }
.Ltmp1:
0xcc: {  	_ = 	snop;
	(pc) =	sbr.rel @p0 .LBB2_1-.Ltmp1, $3  }
0xcd: {  	_ =	sdelay $0x1  }
0xce: {  	[sflag:s31] =	ssyncset.done $0x0  }
0xcf: {  	[sflag:s31] =	ssyncadd.s32 $0xFFFFF800  }
0xd0: {  	_ =	sfence.sel $0x180000  }
0xd1: {  	[bflag:$0x0] =	sbarrier.arrive $0xFFFF  }
0xd2: {  	_ =	strace $0x9000004D  }
0xd3: {  	s0 =	stileid.u32;
	[bflag:$0x2] =	sbarrier.arrive $0xFFFF  }
0xd4: {  	p0 =	sne.s32 s0, $0x0;
	s0 =	rddreg [dreg:$0x3]  }
0xd5: {  	s0 =	sadd.s32 @!p0 $0x100000, s0  }
0xd6: {  	[sflag:s0] =	ssyncadd.tile.s32 @!p0 $0x1;
	_ =	shalt  }
.Lfunc_end2:
_tile_overlayer_lowered:
.L_overlay_start_2:
0xd7: {  	(tag) =	ssettag $0x2  }
0xd8: {  	s0 =	rddreg [dreg:$0x0];
	s2 =	stileid.u32  }
0xd9: {  	s1 =	rddreg [dreg:$0x1];
	p0 =	sne.s32 s2, $0x0  }
0xda: {  	s3 =	rddreg [dreg:$0x2];
	[bflag:$0x3] =	sbarrier.arrive $0xFFFF;
	s2 =	simm.s32 @!p0 $0x1C04  }
0xdb: {  	[timem:s3], [sflag:s2] =	dma.local @!p0 [hbm:s0], s1  }
0xdc: {  	s0 =	simm.s32 @!p0 $0x4  }
0xdd: {  	_ =	swait.ge @!p0 [sflag:s0], s1  }
0xde: {  	s1 =	ssub.s32 @!p0 $0x0, s1;
	[sflag:s0] =	ssyncset.done @!p0 $0x0  }
0xdf: {  	[sflag:s0] =	ssyncadd.s32 @!p0 s1  }
0xe0: {  	[bflag:$0x3] =	sbarrier.arrive $0xFFFF  }
0xe1: {  	_ =	shalt  }

// kernel: kernel.8.cloned.1.call-start
scs
__scs_entry_jumppad:
0x0: {  	(pc) =	sbr.rel $0x88, $3  }
0x1: {  	(tag) =	ssettag $0x0;
	lr =	simm.s32 $0x1  }
0x2: {  	[smem:$0x3F97] =	sst lr;
	_ =	strace $0xD0000000  }
0x3: {  	_ = 	snop  }
0x4: {  	_ = 	snop  }
0x5: {  	_ = 	snop  }
0x6: {  	_ = 	snop  }
0x7: {  	_ = 	snop  }
__scs_overlays_trampoline_lowered:
0x8: {  	[smem:$0x3FA6] =	sst s0  }
0x9: {  	[smem:$0x3FA7] =	sst s1  }
0xa: {  	[smem:$0x3FA8] =	sst s2  }
0xb: {  	[smem:$0x3FA9] =	sst s3  }
0xc: {  	[smem:$0x3FAA] =	sst s4  }
0xd: {  	[smem:$0x3FAB] =	sst s5  }
0xe: {  	[smem:$0x3FAC] =	sst s6  }
0xf: {  	[smem:$0x3FAD] =	sst s7  }
0x10: {  	[smem:$0x3FAE] =	sst s8  }
0x11: {  	[smem:$0x3FAF] =	sst s9;
	s0 =	simm.s32 @!p0 $0x0  }
0x12: {  	s1 =	sld [smem:$0x3F95];
	s0 =	simm.s32 @p0 $0x1  }
0x13: {  	[smem:$0x3FB0] =	sst s0;
	s0 =	simm.s32 @!p1 $0x0  }
0x14: {  	s2 =	sld [smem:$0x3F94];
	s0 =	simm.s32 @p1 $0x1  }
0x15: {  	[smem:$0x3FB1] =	sst s0;
	s0 =	simm.s32 @!p2 $0x0  }
0x16: {  	s3 =	sld [smem:$0x3FDB];
	s0 =	simm.s32 @p2 $0x1  }
0x17: {  	s4 =	simm.s32 $0x1BF5;
	[smem:$0x3FB3] =	sst s0  }
0x18: {  	s0 =	sld [smem:$0x3F96];
	_ =	swait.ge [sflag:s4], $0x0  }
0x19: {  	s7 =	sld [smem:$0x3F97]  }
0x1a: {  	s8 =	sadd.s32 $0xFFFFE003, lr  }
0x1b: {  	s9 =	sadd.s32 $0xFFFFFEF7, lr;
	s5 =	simm.s32 $0xFFFFFFFF;
	p2 =	slt.u32 s8, $0xFFFFF086  }
0x1c: {  	p1 =	slt.u32 s9, $0xF7A;
	s5 =	simm.s32 @!p2 $0x0  }
0x1d: {  	s5 =	simm.s32 @p1 $0x1;
	p0 =	seq.s32 s7, s2  }
0x1e: {  	s7 =	smul.u32 @!p0 $0xF7A, s2;
	p2 =	seq.s32 @!p0 s5, $0x0  }
0x1f: {  	s9 =	smul.u32 $0xF7A, s1;
	s8 =	simm.s32 @!p0 $0x1BF5;
	p2 =	por !p2, p0  }
0x20: {  	[sflag:s8] =	ssyncset.s32 @!p0 $0xFFFFF086;
	s6 =	sadd.s32 @!p0 s3, s7;
	s7 =	simm.s32 @!p0 $0x108  }
0x21: {  	s3 =	sadd.s32 s3, s9;
	s6 =	sadd.s32 @!p0 $0x88, s6;
	s7 =	simm.s32 @p2 $0x1082  }
0x22: {  	[simem:s7], [sflag:s8] =	dma.local @!p0 [hbm:s6], $0xF7A  }
0x23: {  	s9 =	sor.u32 $0xD0000000, s2;
	s6 =	simm.s32 $0x108;
	_ =	swait.ge @!p0 [sflag:s8], $0x0  }
0x24: {  	s3 =	sadd.s32 $0x88, s3;
	s6 =	simm.s32 @!p1 $0x1082;
	[sflag:s4] =	ssyncset.s32 $0xFFFFF086  }
0x25: {  	[simem:s6], [sflag:s4] =	dma.local [hbm:s3], $0xF7A  }
0x26: {  	[smem:$0x3F97] =	sst s1;
	(tag) =	ssettag s2;
	_ =	strace s9  }
0x27: {  	s1 =	sld [smem:$0x3FA7]  }
0x28: {  	s2 =	sld [smem:$0x3FA8]  }
0x29: {  	s4 =	sld [smem:$0x3FAA]  }
0x2a: {  	p0 =	seq.s32 s5, $0x0;
	s5 =	sld [smem:$0x3FAB]  }
0x2b: {  	s6 =	sld [smem:$0x3FAC]  }
0x2c: {  	s7 =	sld [smem:$0x3FAD]  }
0x2d: {  	s3 =	simm.s32 $0x108;
	s8 =	sld [smem:$0x3FAE]  }
0x2e: {  	s3 =	simm.s32 @!p0 $0x1082;
	s9 =	sld [smem:$0x3FAF]  }
0x2f: {  	lr =	sadd.s32 s0, s3;
	s0 =	sld [smem:$0x3FA6]  }
0x30: {  	s3 =	sld [smem:$0x3FA9]  }
0x31: {  	[smem:$0x3FB2] =	sst s10  }
0x32: {  	s10 =	sld [smem:$0x3FB0];
	_ =	sdelay $0x3  }
0x33: {  	p0 =	seq.s32 s10, $0x1;
	s10 =	sld [smem:$0x3FB2];
	_ =	sdelay $0x3  }
0x34: {  	[smem:$0x3FB2] =	sst s10  }
0x35: {  	s10 =	sld [smem:$0x3FB1];
	_ =	sdelay $0x3  }
0x36: {  	p1 =	seq.s32 s10, $0x1;
	s10 =	sld [smem:$0x3FB2];
	_ =	sdelay $0x3  }
0x37: {  	[smem:$0x3FB2] =	sst s10  }
0x38: {  	s10 =	sld [smem:$0x3FB3]  }
0x39: {  	_ = 	snop;
	(pc) =	sbr.ind lr, $3  }
0x3a: {  	_ = 	snop  }
0x3b: {  	_ = 	snop  }
0x3c: {  	p2 =	seq.s32 s10, $0x1;
	s10 =	sld [smem:$0x3FB2]  }
0x3d: {  	_ =	shalt  }
0x3e: {  	_ =	shalt  }
0x3f: {  	_ =	shalt  }
0x40: {  	_ =	shalt  }
0x41: {  	_ =	shalt  }
0x42: {  	_ =	shalt  }
0x43: {  	_ =	shalt  }
0x44: {  	_ =	shalt  }
0x45: {  	_ =	shalt  }
0x46: {  	_ =	shalt  }
0x47: {  	_ =	shalt  }
0x48: {  	_ =	shalt  }
0x49: {  	_ =	shalt  }
0x4a: {  	_ =	shalt  }
0x4b: {  	_ =	shalt  }
0x4c: {  	_ =	shalt  }
0x4d: {  	_ =	shalt  }
0x4e: {  	_ =	shalt  }
0x4f: {  	_ =	shalt  }
0x50: {  	_ =	shalt  }
0x51: {  	_ =	shalt  }
0x52: {  	_ =	shalt  }
0x53: {  	_ =	shalt  }
0x54: {  	_ =	shalt  }
0x55: {  	_ =	shalt  }
0x56: {  	_ =	shalt  }
0x57: {  	_ =	shalt  }
0x58: {  	_ =	shalt  }
0x59: {  	_ =	shalt  }
0x5a: {  	_ =	shalt  }
0x5b: {  	_ =	shalt  }
0x5c: {  	_ =	shalt  }
0x5d: {  	_ =	shalt  }
0x5e: {  	_ =	shalt  }
0x5f: {  	_ =	shalt  }
0x60: {  	_ =	shalt  }
0x61: {  	_ =	shalt  }
0x62: {  	_ =	shalt  }
0x63: {  	_ =	shalt  }
0x64: {  	_ =	shalt  }
0x65: {  	_ =	shalt  }
0x66: {  	_ =	shalt  }
0x67: {  	_ =	shalt  }
0x68: {  	_ =	shalt  }
0x69: {  	_ =	shalt  }
0x6a: {  	_ =	shalt  }
0x6b: {  	_ =	shalt  }
0x6c: {  	_ =	shalt  }
0x6d: {  	_ =	shalt  }
0x6e: {  	_ =	shalt  }
0x6f: {  	_ =	shalt  }
0x70: {  	_ =	shalt  }
0x71: {  	_ =	shalt  }
0x72: {  	_ =	shalt  }
0x73: {  	_ =	shalt  }
0x74: {  	_ =	shalt  }
0x75: {  	_ =	shalt  }
0x76: {  	_ =	shalt  }
0x77: {  	_ =	shalt  }
0x78: {  	_ =	shalt  }
0x79: {  	_ =	shalt  }
0x7a: {  	_ =	shalt  }
0x7b: {  	_ =	shalt  }
0x7c: {  	_ =	shalt  }
0x7d: {  	_ =	shalt  }
0x7e: {  	_ =	shalt  }
0x7f: {  	_ =	shalt  }
0x80: {  	_ =	shalt  }
0x81: {  	_ =	shalt  }
0x82: {  	_ =	shalt  }
0x83: {  	_ =	shalt  }
0x84: {  	_ =	shalt  }
0x85: {  	_ =	shalt  }
0x86: {  	_ =	shalt  }
0x87: {  	_ =	shalt  }
.Lfunc_end0:
.L_simem_size_0:
called_computation_lowered:
.L_overlay_start_0:
0x88: {  	s2 =	sld [smem:$0x3FD9]  }
0x89: {  	s3 =	sld [smem:$0x3FFE];
	_ =	sdelay $0x1  }
0x8a: {  	s1 =	srdreg.scid  }
0x8b: {  	s0 =	sand.u32 $0x1, s1  }
0x8c: {  	s17 =	sshll.u32 s0, $0xA;
	s2 =	sadd.s32 s3, s2  }
0x8d: {  	s2 =	sadd.s32 s2, s17  }
0x8e: {  	[smem:$0x3FBE] =	sst s2  }
0x8f: {  	_ = 	snop  }
0x90: {  	s2 =	sld [smem:$0x3FD0];
	(tm) =	ssettm $0x1  }
0x91: {  	s18 =	sld [smem:$0x3FFB];
	_ =	sdelay $0x3  }
0x92: {  	_ =	strace s18  }
0x93: {  	s3 =	sld [smem:$0x3FFC];
	_ =	sdelay $0x3  }
0x94: {  	_ =	strace s3  }
0x95: {  	s3 =	sld [smem:$0x3FFD];
	_ =	sdelay $0x3  }
0x96: {  	_ =	strace s3  }
0x97: {  	_ =	strace $0x8FFFFFFF  }
0x98: {  	s19 =	sld [smem:$0x3FDB];
	_ =	sdelay $0x1  }
0x99: {  	s4 =	simm.s32 $_scs_section_size  }
0x9a: {  	s5 =	simm.s32 $_size__tile_overlayer_lowered;
	s6 =	simm.s32 $_tile_overlayer_lowered  }
0x9b: {  	s22 =	simm.s32 $0x1BFF;
	s21 =	sshll.u32 s6, $0x1;
	s3 =	sadd.s32 s4, s19  }
0x9c: {  	s7 =	simm.s32 $0x0;
	s20 =	sshll.u32 s5, $0x1;
	s5 =	sadd.s32 s21, s3  }
0x9d: {  	[timem:s7], [sflag:s22] =	dma.local [hbm:s5], s20  }
0x9e: {  	_ =	swait.ge [sflag:s22], s20  }
0x9f: {  	s4 =	ssub.s32 $0x0, s20;
	[sflag:s22] =	ssyncset.done $0x0  }
0xa0: {  	[sflag:s22] =	ssyncadd.s32 s4;
	_ =	sdelay $0x1  }
0xa1: {  	s23 =	simm.s32 $0x1B8B  }
0xa2: {  	_ =	swait.ge [sflag:s23], $0x1  }
0xa3: {  	[sflag:s23] =	ssyncset.done $0x0  }
0xa4: {  	s25 =	simm.s32 $0x1B8E;
	s24 =	sld [smem:$0x3FFE];
	[sflag:s23] =	ssyncadd.s32 $0xFFFFFFFF  }
0xa5: {  	s26 =	simm.s32 $execute0_lowered;
	[smem:$0x3FD2] =	sst s25  }
0xa6: {  	s5 =	sshll.u32 s26, $0x1;
	_ =	strace $0x80000046;
	[dreg:$0x1] =	wrdreg $0xFFFFFFFF  }
0xa7: {  	s28 =	simm.s32 $_size_execute0_lowered;
	s3 =	sadd.s32 s3, s5;
	[dreg:$0x0] =	wrdreg $0x0  }
0xa8: {  	s5 =	sshll.u32 s28, $0x1;
	[dreg:$0x2] =	wrdreg s3  }
0xa9: {  	[dreg:$0x3] =	wrdreg s5  }
0xaa: {  	[dreg:$0x4] =	wrdreg $0xC0  }
0xab: {  	_ =	task [dreg:s7], $0x5FFFF  }
0xac: {  	[dreg:$0x1] =	wrdreg $0xFFFFFFFF  }
0xad: {  	[dreg:$0x0] =	wrdreg $0x60  }
0xae: {  	[dreg:$0x2] =	wrdreg s24  }
0xaf: {  	[dreg:$0x3] =	wrdreg s2  }
0xb0: {  	[dreg:$0x4] =	wrdreg $0x9  }
0xb1: {  	_ =	task.clear_ibuf [dreg:s7], $0x5FFFF;
	_ =	strace $0x90000046  }
0xb2: {  	s29 =	simm.s32 $0x9;
	_ =	strace $0x80000048  }
0xb3: {  	_ =	swait.ge [sflag:s29], $0x1  }
0xb4: {  	[sflag:s29] =	ssyncadd.s32 $0xFFFFFFFF  }
0xb5: {  	_ =	strace $0x90000048  }
0xb6: {  	_ =	sfence  }
0xb7: {  	s30 =	sld [smem:$0x0];
	_ =	sdelay $0x2  }
0xb8: {  	s31 =	sshll.u32 s1, $0xD;
	s1 =	sshrl.u32 s1, $0x2  }
0xb9: {  	s3 =	sand.u32 $0x4000, s31;
	s1 =	sadd.s32 s1, s30  }
0xba: {  	s0 =	sor.u32 s3, s0;
	s1 =	sshll.u32 s1, $0x11  }
0xbb: {  	s0 =	sor.u32 s1, s0  }
0xbc: {  	s0 =	sadd.s32 $0x8F2B, s0  }
0xbd: {  	[sflag:s0] =	ssyncadd.remote.s32 $0x1  }
0xbe: {  	_ =	sfence.sel $0xFFFF  }
0xbf: {  	[dreg:$0x0] =	wrdreg $0xFFFFFFFF;
	(pc) =	sbr.abs _section_cstart, $3  }
0xc0: {  	[dreg:$0x1] =	wrdreg $0xFFFFFFFF  }
0xc1: {  	_ =	task.clear_ibuf [dreg:s7], $0x2FFFF;
	_ =	strace $0x9FFFFFFF  }
0xc2: {  	(tm) =	ssettm $0x7FFFFFFF  }
0xc3: {  	_ =	shalt  }
tec
execute0_lowered:
.L_overlay_start_1:
0x0: {  	(tag) =	ssettag $0x1  }
0x1: {  	s3 =	rddreg [dreg:$0x0]  }
0x2: {  	s4 =	rddreg [dreg:$0x1]  }
0x3: {  	s1 =	srdreg.scid;
	s0 =	rddreg [dreg:$0x2]  }
0x4: {  	s2 =	simm.s32 $0x0;
	s12 =	simm.s32 $0x80;
	s13 =	simm.s32 $0x400  }
0x5: {  	s14 =	simm.s32 $0x0;
	s5 =	sand.u32 $0x1, s1;
	s1 =	stileid.u32  }
0x6: {  	[smem:$0x7FF] =	sst s2;
	s11 =	sadd.s32 $0xC800, s3;
	s6 =	sshll.u32 s5, $0x4  }
0x7: {  	_ =	strace $0x80000047;
	s5 =	ssub.s32 $0x2, s5;
	s6 =	sor.u32 s1, s6  }
0x8: {  	s8 =	sshll.u32 s1, $0x7;
	s7 =	smul.u32 $0x500, s6;
	s6 =	sshrl.u32 s6, $0x3  }
0x9: {  	s10 =	sshrl.u32 s5, $0x1;
	s8 =	sand.u32 $0x380, s8;
	s6 =	smul.u32 $0x14000, s6  }
0xa: {  	s10 =	ssub.s32 s5, s10;
	s9 =	sadd.s32 s7, s3;
	s4 =	sadd.s32 s4, s7  }
0xb: {  	s7 =	smax.u32 s10, $0x1;
	s10 =	simm.s32 $0x5000;
	s30 =	sor.u32 s8, s6  }
0xc: {  	s3 =	sadd.s32 $0x2800, s9;
	s6 =	sshrl.u32 s30, $0x3;
	s8 =	sadd.s32 $0x50000, s30  }
0xd: {  	s9 =	simm.s32 $0x2800;
	s5 =	sadd.s32 s11, s6;
	s31 =	sshrl.u32 s8, $0x3  }
0xe: {  	v0 =	vimm.f32 $0.0e+00;
	v1 =	vimm.f32 $1.000000000e+00;
	s8 =	simm.s32 $0x1;
	s6 =	sadd.s32 s11, s31;
	s11 =	simm.s32 $0x7800  }
.LBB2_1:
0xf: {  	[tilespmem:s2], [sflag:$0x1] =	stream.linear.gather [hbm4b:s3+s2], $0x2800, $0x38;
	[tilespmem:$0xA000] =	vst v63  }
0x10: {  	_ =	swait.ge [sflag:s8], $0x2800  }
0x11: {  	[sflag:s8] =	ssyncset.done $0x0  }
0x12: {  	[sflag:s8] =	ssyncadd.s32 $0xFFFFD800  }
0x13: {  	[tilespmem:s9], [sflag:$0x1] =	stream.linear.gather [hbm4b:s4+s2], $0x2800, $0x38;
	[tilespmem:$0xA000] =	vst v63  }
0x14: {  	_ =	swait.ge [sflag:s8], $0x2800  }
0x15: {  	[sflag:s8] =	ssyncset.done $0x0  }
0x16: {  	s15 =	simm.s32 $0x0;
	[sflag:s8] =	ssyncadd.s32 $0xFFFFD800  }
.LBB2_2:
0x17: {  	p0 =	sne.s32 s15, $0x9FC0  }
.Ltmp0:
0x18: {  	_ = 	snop;
	(pc) =	sbr.rel @p0 .LBB2_2-.Ltmp0, $4  }
0x19: {  	_ = 	snop  }
0x1a: {  	s16 =	sshra.s32 s15, $0x2  }
0x1b: {  	[tilespmem:s16+$0x5000] =	vst v0  }
0x1c: {  	s15 =	sadd.s32 $0x40, s15;
	[tilespmem:s16+$0x7800] =	vst v0  }
0x1d: {  	s15 =	simm.s32 $0x0  }
.LBB2_4:
0x1e: {  	s16 =	sshra.s32 s15, $0x2  }
0x1f: {  	v2 =	vld [tilespmem:s16+$0x0]  }
0x20: {  	v3 =	vld [tilespmem:s16+$0x2800];
	_ =	sdelay $0x6  }
0x21: {  	[tilespmem:v2+s10+$0x0] =	vst.idx.add.f32.msk $0xffff, v1  }
0x22: {  	[tilespmem:v3+s11+$0x0] =	vst.idx.add.f32.msk $0xffff, v1  }
0x23: {  	v2 =	vld [tilespmem:s16+$0x10]  }
0x24: {  	v3 =	vld [tilespmem:s16+$0x2810];
	_ =	sdelay $0x6  }
0x25: {  	[tilespmem:v2+s10+$0x0] =	vst.idx.add.f32.msk $0xffff, v1  }
0x26: {  	[tilespmem:v3+s11+$0x0] =	vst.idx.add.f32.msk $0xffff, v1  }
0x27: {  	v2 =	vld [tilespmem:s16+$0x20]  }
0x28: {  	v3 =	vld [tilespmem:s16+$0x2820];
	_ =	sdelay $0x6  }
0x29: {  	[tilespmem:v2+s10+$0x0] =	vst.idx.add.f32.msk $0xffff, v1  }
0x2a: {  	[tilespmem:v3+s11+$0x0] =	vst.idx.add.f32.msk $0xffff, v1  }
0x2b: {  	v2 =	vld [tilespmem:s16+$0x30]  }
0x2c: {  	v3 =	vld [tilespmem:s16+$0x2830];
	_ =	sdelay $0x6  }
0x2d: {  	[tilespmem:v2+s10+$0x0] =	vst.idx.add.f32.msk $0xffff, v1  }
0x2e: {  	[tilespmem:v3+s11+$0x0] =	vst.idx.add.f32.msk $0xffff, v1  }
0x2f: {  	v2 =	vld [tilespmem:s16+$0x40]  }
0x30: {  	v3 =	vld [tilespmem:s16+$0x2840];
	_ =	sdelay $0x6  }
0x31: {  	[tilespmem:v2+s10+$0x0] =	vst.idx.add.f32.msk $0xffff, v1  }
0x32: {  	[tilespmem:v3+s11+$0x0] =	vst.idx.add.f32.msk $0xffff, v1  }
0x33: {  	v2 =	vld [tilespmem:s16+$0x50]  }
0x34: {  	v3 =	vld [tilespmem:s16+$0x2850];
	_ =	sdelay $0x6  }
0x35: {  	[tilespmem:v2+s10+$0x0] =	vst.idx.add.f32.msk $0xffff, v1  }
0x36: {  	[tilespmem:v3+s11+$0x0] =	vst.idx.add.f32.msk $0xffff, v1  }
0x37: {  	v2 =	vld [tilespmem:s16+$0x60]  }
0x38: {  	v3 =	vld [tilespmem:s16+$0x2860];
	_ =	sdelay $0x6  }
0x39: {  	[tilespmem:v2+s10+$0x0] =	vst.idx.add.f32.msk $0xffff, v1  }
0x3a: {  	[tilespmem:v3+s11+$0x0] =	vst.idx.add.f32.msk $0xffff, v1  }
0x3b: {  	v2 =	vld [tilespmem:s16+$0x70]  }
0x3c: {  	v3 =	vld [tilespmem:s16+$0x2870];
	_ =	sdelay $0x2  }
0x3d: {  	p0 =	sne.s32 s15, $0x9E00  }
.Ltmp1:
0x3e: {  	_ = 	snop;
	(pc) =	sbr.rel @p0 .LBB2_4-.Ltmp1, $3  }
0x3f: {  	_ =	sdelay $0x1  }
0x40: {  	[tilespmem:v2+s10+$0x0] =	vst.idx.add.f32.msk $0xffff, v1  }
0x41: {  	s15 =	sadd.s32 $0x200, s15;
	[tilespmem:v3+s11+$0x0] =	vst.idx.add.f32.msk $0xffff, v1  }
0x42: {  	[hbm4b:s5+s12] =	stream.strided.scatter [tilespmem:s10], [sflag:$0x1], $0x2800, s13, s12, $0x38;
	[tilespmem:$0xA000] =	vst v63  }
0x43: {  	s14 =	sadd.s32 $0x1, s14;
	_ =	swait.ge [sflag:s8], $0x2800  }
0x44: {  	p0 =	sne.s32 s14, s7;
	[sflag:s8] =	ssyncset.done $0x0  }
.Ltmp2:
0x45: {  	[sflag:s8] =	ssyncadd.s32 $0xFFFFD800;
	(pc) =	sbr.rel @p0 .LBB2_1-.Ltmp2, $4  }
0x46: {  	[hbm4b:s6+s12] =	stream.strided.scatter [tilespmem:s11], [sflag:$0x1], $0x2800, s13, s12, $0x38;
	[tilespmem:$0xA000] =	vst v63  }
0x47: {  	_ =	swait.ge [sflag:s8], $0x2800  }
0x48: {  	[sflag:s8] =	ssyncset.done $0x0  }
0x49: {  	[sflag:s8] =	ssyncadd.s32 $0xFFFFD800  }
0x4a: {  	_ =	sfence.sel $0x180000  }
0x4b: {  	[bflag:$0x0] =	sbarrier.arrive $0xFFFF  }
0x4c: {  	p0 =	sne.s32 s1, $0x0;
	_ =	strace $0x90000047  }
0x4d: {  	s0 =	sadd.s32 @!p0 $0x100000, s0;
	[bflag:$0x2] =	sbarrier.arrive $0xFFFF  }
0x4e: {  	[sflag:s0] =	ssyncadd.tile.s32 @!p0 $0x1;
	_ =	shalt  }
.Lfunc_end2:
_tile_overlayer_lowered:
.L_overlay_start_2:
0x4f: {  	(tag) =	ssettag $0x2  }
0x50: {  	s0 =	rddreg [dreg:$0x0];
	s2 =	stileid.u32  }
0x51: {  	s1 =	rddreg [dreg:$0x1];
	p0 =	sne.s32 s2, $0x0  }
0x52: {  	s3 =	rddreg [dreg:$0x2];
	[bflag:$0x3] =	sbarrier.arrive $0xFFFF;
	s2 =	simm.s32 @!p0 $0x1C01  }
0x53: {  	[timem:s3], [sflag:s2] =	dma.local @!p0 [hbm:s0], s1  }
0x54: {  	s0 =	simm.s32 @!p0 $0x1  }
0x55: {  	_ =	swait.ge @!p0 [sflag:s0], s1  }
0x56: {  	s1 =	ssub.s32 @!p0 $0x0, s1;
	[sflag:s0] =	ssyncset.done @!p0 $0x0  }
0x57: {  	[sflag:s0] =	ssyncadd.s32 @!p0 s1  }
0x58: {  	[bflag:$0x3] =	sbarrier.arrive $0xFFFF  }
0x59: {  	_ =	shalt  }

</sc_bundles>
